<compile_context>
chip_gen: v7x
topology: tpu7x:2x2x1
jax: 0.10.2.dev20260603
libtpu: 0.0.44.dev20260713+nightly
codegen_flags: <defaults>
</compile_context>

<pallas_src>
import functools

import jax
import jax.numpy as jnp
from jax import lax
from jax.experimental import pallas as pl
from jax.experimental.pallas import tpu as pltpu
from jax.experimental.pallas import tpu_sc as plsc

B = 16384
D = 64
_L = 16

_info = plsc.get_sparse_core_info()
_NC, _NS = _info.num_cores, _info.num_subcores
_NW = _NC * _NS
_W = B // _NW
_GROUPS = _W // _L


def _make_kernel():
    mesh = plsc.VectorSubcoreMesh(core_axis_name="c", subcore_axis_name="s")

    @functools.partial(
        pl.kernel,
        mesh=mesh,
        out_type=[
            jax.ShapeDtypeStruct((B,), jnp.float32),
            jax.ShapeDtypeStruct((D, B), jnp.float32),
            jax.ShapeDtypeStruct((D, B), jnp.float32),
        ],
        scratch_types=[
            pltpu.VMEM((D, _W), jnp.float32),
            pltpu.VMEM((D, _W), jnp.float32),
            pltpu.VMEM((_W,), jnp.float32),
            pltpu.SemaphoreType.DMA,
            pltpu.SemaphoreType.DMA,
        ],
        compiler_params=pltpu.CompilerParams(needs_layout_passes=False),
    )
    def dot_kernel(gut_hbm, git_hbm, xui_hbm, gout_u, gout_i, u_v, i_v, o_v,
                   sem_in, sem_out):
        wid = lax.axis_index("s") * _NC + lax.axis_index("c")
        base = wid * _W
        cu = pltpu.async_copy(gut_hbm.at[:, pl.ds(base, _W)], u_v, sem_in)
        ci = pltpu.async_copy(git_hbm.at[:, pl.ds(base, _W)], i_v, sem_in)
        cu.wait()
        ci.wait()
        ou = pltpu.async_copy(u_v, gout_u.at[:, pl.ds(base, _W)], sem_out)
        oi = pltpu.async_copy(i_v, gout_i.at[:, pl.ds(base, _W)], sem_out)

        def group_body(g, carry):
            col = g * _L
            accs = [None, None, None, None]
            for j in range(D):
                p = u_v[j, pl.ds(col, _L)] * i_v[j, pl.ds(col, _L)]
                k = j % 4
                accs[k] = p if accs[k] is None else accs[k] + p
            o_v[pl.ds(col, _L)] = (accs[0] + accs[1]) + (accs[2] + accs[3])
            return carry

        lax.fori_loop(0, _GROUPS, group_body, 0)
        pltpu.sync_copy(o_v, xui_hbm.at[pl.ds(base, _W)])
        ou.wait()
        oi.wait()

    return dot_kernel


_dot = _make_kernel()


def kernel(gu, gi):
    xui, gut_out, git_out = _dot(gu.T, gi.T)
    return (xui, gut_out.T, git_out.T)

# --- scband reference (transcript-rebuilt; emitter-appended) ---
"""Pipeline reference for scband-gcnmodel-80951543595843 (READ-ONLY COPY).

The authoritative reference and input builder live on the scoring server;
editing this copy changes nothing except your own understanding.
"""

import jax, jax.numpy as jnp
import numpy as np

B = 16384
D = 64

def setup_inputs(seed: int = 0) -> dict:
    key = jax.random.key(seed)
    k1, k2 = jax.random.split(key, 2)
    gu = jax.random.normal(k1, (B, D), dtype=jnp.float32)
    gi = jax.random.normal(k2, (B, D), dtype=jnp.float32)
    return {"gu": gu, "gi": gi}

def reference(gu, gi):
    # Faithful translation of GCNModel.forward(inputs=(gu, gi)):
    #   gamma_u = torch.squeeze(gu); gamma_i = torch.squeeze(gi)
    #   xui = torch.sum(gamma_u * gamma_i, 1)
    #   return (xui, gamma_u, gamma_i)
    gamma_u = jnp.squeeze(gu)
    gamma_i = jnp.squeeze(gi)
    xui = jnp.sum(gamma_u * gamma_i, axis=1)
    return (xui, gamma_u, gamma_i)

if __name__ == "__main__":
    import jax
    _d = setup_inputs()
    print(jax.jit(kernel)(*tuple(_d.values())))

</pallas_src>

<mosaic_0001>
#map = affine_map<(d0, d1) -> (0, 0)>
#map1 = affine_map<(d0, d1) -> (0)>
module attributes {stable_mosaic.version = 14 : i64} {
  func.func @dot_kernel(%arg0: i32, %arg1: i32, %arg2: memref<64x16384xf32, #tpu.memory_space<hbm>>, %arg3: memref<64x16384xf32, #tpu.memory_space<hbm>>, %arg4: memref<16384xf32, #tpu.memory_space<hbm>>, %arg5: memref<64x16384xf32, #tpu.memory_space<hbm>>, %arg6: memref<64x16384xf32, #tpu.memory_space<hbm>>, %arg7: memref<64x512xf32, #tpu.memory_space<vmem>>, %arg8: memref<64x512xf32, #tpu.memory_space<vmem>>, %arg9: memref<512xf32, #tpu.memory_space<vmem>>, %arg10: memref<!tpu.dma_semaphore, #tpu.memory_space<semaphore_mem>>, %arg11: memref<!tpu.dma_semaphore, #tpu.memory_space<semaphore_mem>>) attributes {dimension_semantics = [#tpu.dimension_semantics<core_parallel>, #tpu.dimension_semantics<subcore_parallel>], iteration_bounds = array<i64: 2, 16>, scalar_prefetch = 0 : i64, scratch_operands = 5 : i64, tpu.core_type = #tpu.core_type<sc_vector_subcore>, window_params = [{transform_indices = #map}, {transform_indices = #map}, {transform_indices = #map1}, {transform_indices = #map}, {transform_indices = #map}]} {
    %mul3A = arith.constant 2 : i32
    %mul3A_0 = arith.muli %arg1, %mul3A : i32
    %add3A = arith.addi %mul3A_0, %arg0 : i32
    %mul3A_1 = arith.constant 512 : i32
    %mul3A_2 = arith.muli %add3A, %mul3A_1 : i32
    %dma_start3A = arith.constant 0 : i32
    %dma_start3A_3 = tpu.memref_slice %arg2[%dma_start3A, %mul3A_2] : memref<64x16384xf32, #tpu.memory_space<hbm>> -> memref<64x512xf32, #tpu.memory_space<hbm>>
    %dma_start3A_4 = arith.constant 0 : i32
    %dma_start3A_5 = tpu.memref_slice %arg2[%dma_start3A_4, %mul3A_2] : memref<64x16384xf32, #tpu.memory_space<hbm>> -> memref<64x512xf32, #tpu.memory_space<hbm>>
    tpu.enqueue_dma source(%dma_start3A_5 : memref<64x512xf32, #tpu.memory_space<hbm>>) target(%arg7 : memref<64x512xf32, #tpu.memory_space<vmem>>) target_semaphore(%arg10 : memref<!tpu.dma_semaphore, #tpu.memory_space<semaphore_mem>>)
    %dma_start3A_6 = arith.constant 0 : i32
    %dma_start3A_7 = tpu.memref_slice %arg3[%dma_start3A_6, %mul3A_2] : memref<64x16384xf32, #tpu.memory_space<hbm>> -> memref<64x512xf32, #tpu.memory_space<hbm>>
    %dma_start3A_8 = arith.constant 0 : i32
    %dma_start3A_9 = tpu.memref_slice %arg3[%dma_start3A_8, %mul3A_2] : memref<64x16384xf32, #tpu.memory_space<hbm>> -> memref<64x512xf32, #tpu.memory_space<hbm>>
    tpu.enqueue_dma source(%dma_start3A_9 : memref<64x512xf32, #tpu.memory_space<hbm>>) target(%arg8 : memref<64x512xf32, #tpu.memory_space<vmem>>) target_semaphore(%arg10 : memref<!tpu.dma_semaphore, #tpu.memory_space<semaphore_mem>>)
    %dma_wait3A = arith.constant 0 : i32
    %dma_wait3A_10 = tpu.memref_slice %arg2[%dma_wait3A, %mul3A_2] : memref<64x16384xf32, #tpu.memory_space<hbm>> -> memref<64x512xf32, #tpu.memory_space<hbm>>
    %dma_wait3A_11 = arith.constant 0 : i32
    %dma_wait3A_12 = tpu.memref_slice %arg2[%dma_wait3A_11, %mul3A_2] : memref<64x16384xf32, #tpu.memory_space<hbm>> -> memref<64x512xf32, #tpu.memory_space<hbm>>
    tpu.wait_dma2 semaphore(%arg10 : memref<!tpu.dma_semaphore, #tpu.memory_space<semaphore_mem>>) src(%dma_wait3A_12 : memref<64x512xf32, #tpu.memory_space<hbm>>) dst(%arg7 : memref<64x512xf32, #tpu.memory_space<vmem>>)
    %dma_wait3A_13 = arith.constant 0 : i32
    %dma_wait3A_14 = tpu.memref_slice %arg3[%dma_wait3A_13, %mul3A_2] : memref<64x16384xf32, #tpu.memory_space<hbm>> -> memref<64x512xf32, #tpu.memory_space<hbm>>
    %dma_wait3A_15 = arith.constant 0 : i32
    %dma_wait3A_16 = tpu.memref_slice %arg3[%dma_wait3A_15, %mul3A_2] : memref<64x16384xf32, #tpu.memory_space<hbm>> -> memref<64x512xf32, #tpu.memory_space<hbm>>
    tpu.wait_dma2 semaphore(%arg10 : memref<!tpu.dma_semaphore, #tpu.memory_space<semaphore_mem>>) src(%dma_wait3A_16 : memref<64x512xf32, #tpu.memory_space<hbm>>) dst(%arg8 : memref<64x512xf32, #tpu.memory_space<vmem>>)
    %dma_start3A_17 = arith.constant 0 : i32
    %dma_start3A_18 = tpu.memref_slice %arg5[%dma_start3A_17, %mul3A_2] : memref<64x16384xf32, #tpu.memory_space<hbm>> -> memref<64x512xf32, #tpu.memory_space<hbm>>
    %dma_start3A_19 = arith.constant 0 : i32
    %dma_start3A_20 = tpu.memref_slice %arg5[%dma_start3A_19, %mul3A_2] : memref<64x16384xf32, #tpu.memory_space<hbm>> -> memref<64x512xf32, #tpu.memory_space<hbm>>
    tpu.enqueue_dma source(%arg7 : memref<64x512xf32, #tpu.memory_space<vmem>>) target(%dma_start3A_20 : memref<64x512xf32, #tpu.memory_space<hbm>>) target_semaphore(%arg11 : memref<!tpu.dma_semaphore, #tpu.memory_space<semaphore_mem>>)
    %dma_start3A_21 = arith.constant 0 : i32
    %dma_start3A_22 = tpu.memref_slice %arg6[%dma_start3A_21, %mul3A_2] : memref<64x16384xf32, #tpu.memory_space<hbm>> -> memref<64x512xf32, #tpu.memory_space<hbm>>
    %dma_start3A_23 = arith.constant 0 : i32
    %dma_start3A_24 = tpu.memref_slice %arg6[%dma_start3A_23, %mul3A_2] : memref<64x16384xf32, #tpu.memory_space<hbm>> -> memref<64x512xf32, #tpu.memory_space<hbm>>
    tpu.enqueue_dma source(%arg8 : memref<64x512xf32, #tpu.memory_space<vmem>>) target(%dma_start3A_24 : memref<64x512xf32, #tpu.memory_space<hbm>>) target_semaphore(%arg11 : memref<!tpu.dma_semaphore, #tpu.memory_space<semaphore_mem>>)
    %scan3A = arith.constant 0 : i32
    %scan3A_25 = arith.constant 0 : i32
    %scan3A_26 = arith.constant 32 : i32
    %scan3A_27 = arith.addi %scan3A_25, %scan3A_26 : i32
    %scan3A_28 = arith.constant 1 : i32
    scf.for %scan3A_38 = %scan3A_25 to %scan3A_27 step %scan3A_28  : i32 {
      %mul3A_39 = arith.constant 16 : i32
      %mul3A_40 = arith.muli %scan3A_38, %mul3A_39 : i32
      %get3A = arith.constant 0 : i32
      %get3A_41 = arith.index_cast %get3A : i32 to index
      %get3A_42 = arith.index_cast %mul3A_40 : i32 to index
      %get3A_43 = tpu.vector_load %arg7[%get3A_41, %get3A_42] {strides = array<i32>} : memref<64x512xf32, #tpu.memory_space<vmem>>, vector<16xf32>,
      %get3A_44 = arith.constant 0 : i32
      %get3A_45 = arith.index_cast %get3A_44 : i32 to index
      %get3A_46 = arith.index_cast %mul3A_40 : i32 to index
      %get3A_47 = tpu.vector_load %arg8[%get3A_45, %get3A_46] {strides = array<i32>} : memref<64x512xf32, #tpu.memory_space<vmem>>, vector<16xf32>,
      %mul3A_48 = arith.mulf %get3A_43, %get3A_47 : vector<16xf32>
      %get3A_49 = arith.constant 1 : i32
      %get3A_50 = arith.index_cast %get3A_49 : i32 to index
      %get3A_51 = arith.index_cast %mul3A_40 : i32 to index
      %get3A_52 = tpu.vector_load %arg7[%get3A_50, %get3A_51] {strides = array<i32>} : memref<64x512xf32, #tpu.memory_space<vmem>>, vector<16xf32>,
      %get3A_53 = arith.constant 1 : i32
      %get3A_54 = arith.index_cast %get3A_53 : i32 to index
      %get3A_55 = arith.index_cast %mul3A_40 : i32 to index
      %get3A_56 = tpu.vector_load %arg8[%get3A_54, %get3A_55] {strides = array<i32>} : memref<64x512xf32, #tpu.memory_space<vmem>>, vector<16xf32>,
      %mul3A_57 = arith.mulf %get3A_52, %get3A_56 : vector<16xf32>
      %get3A_58 = arith.constant 2 : i32
      %get3A_59 = arith.index_cast %get3A_58 : i32 to index
      %get3A_60 = arith.index_cast %mul3A_40 : i32 to index
      %get3A_61 = tpu.vector_load %arg7[%get3A_59, %get3A_60] {strides = array<i32>} : memref<64x512xf32, #tpu.memory_space<vmem>>, vector<16xf32>,
      %get3A_62 = arith.constant 2 : i32
      %get3A_63 = arith.index_cast %get3A_62 : i32 to index
      %get3A_64 = arith.index_cast %mul3A_40 : i32 to index
      %get3A_65 = tpu.vector_load %arg8[%get3A_63, %get3A_64] {strides = array<i32>} : memref<64x512xf32, #tpu.memory_space<vmem>>, vector<16xf32>,
      %mul3A_66 = arith.mulf %get3A_61, %get3A_65 : vector<16xf32>
      %get3A_67 = arith.constant 3 : i32
      %get3A_68 = arith.index_cast %get3A_67 : i32 to index
      %get3A_69 = arith.index_cast %mul3A_40 : i32 to index
      %get3A_70 = tpu.vector_load %arg7[%get3A_68, %get3A_69] {strides = array<i32>} : memref<64x512xf32, #tpu.memory_space<vmem>>, vector<16xf32>,
      %get3A_71 = arith.constant 3 : i32
      %get3A_72 = arith.index_cast %get3A_71 : i32 to index
      %get3A_73 = arith.index_cast %mul3A_40 : i32 to index
      %get3A_74 = tpu.vector_load %arg8[%get3A_72, %get3A_73] {strides = array<i32>} : memref<64x512xf32, #tpu.memory_space<vmem>>, vector<16xf32>,
      %mul3A_75 = arith.mulf %get3A_70, %get3A_74 : vector<16xf32>
      %get3A_76 = arith.constant 4 : i32
      %get3A_77 = arith.index_cast %get3A_76 : i32 to index
      %get3A_78 = arith.index_cast %mul3A_40 : i32 to index
      %get3A_79 = tpu.vector_load %arg7[%get3A_77, %get3A_78] {strides = array<i32>} : memref<64x512xf32, #tpu.memory_space<vmem>>, vector<16xf32>,
      %get3A_80 = arith.constant 4 : i32
      %get3A_81 = arith.index_cast %get3A_80 : i32 to index
      %get3A_82 = arith.index_cast %mul3A_40 : i32 to index
      %get3A_83 = tpu.vector_load %arg8[%get3A_81, %get3A_82] {strides = array<i32>} : memref<64x512xf32, #tpu.memory_space<vmem>>, vector<16xf32>,
      %mul3A_84 = arith.mulf %get3A_79, %get3A_83 : vector<16xf32>
      %add3A_85 = arith.addf %mul3A_48, %mul3A_84 : vector<16xf32>
      %get3A_86 = arith.constant 5 : i32
      %get3A_87 = arith.index_cast %get3A_86 : i32 to index
      %get3A_88 = arith.index_cast %mul3A_40 : i32 to index
      %get3A_89 = tpu.vector_load %arg7[%get3A_87, %get3A_88] {strides = array<i32>} : memref<64x512xf32, #tpu.memory_space<vmem>>, vector<16xf32>,
      %get3A_90 = arith.constant 5 : i32
      %get3A_91 = arith.index_cast %get3A_90 : i32 to index
      %get3A_92 = arith.index_cast %mul3A_40 : i32 to index
      %get3A_93 = tpu.vector_load %arg8[%get3A_91, %get3A_92] {strides = array<i32>} : memref<64x512xf32, #tpu.memory_space<vmem>>, vector<16xf32>,
      %mul3A_94 = arith.mulf %get3A_89, %get3A_93 : vector<16xf32>
      %add3A_95 = arith.addf %mul3A_57, %mul3A_94 : vector<16xf32>
      %get3A_96 = arith.constant 6 : i32
      %get3A_97 = arith.index_cast %get3A_96 : i32 to index
      %get3A_98 = arith.index_cast %mul3A_40 : i32 to index
      %get3A_99 = tpu.vector_load %arg7[%get3A_97, %get3A_98] {strides = array<i32>} : memref<64x512xf32, #tpu.memory_space<vmem>>, vector<16xf32>,
      %get3A_100 = arith.constant 6 : i32
      %get3A_101 = arith.index_cast %get3A_100 : i32 to index
      %get3A_102 = arith.index_cast %mul3A_40 : i32 to index
      %get3A_103 = tpu.vector_load %arg8[%get3A_101, %get3A_102] {strides = array<i32>} : memref<64x512xf32, #tpu.memory_space<vmem>>, vector<16xf32>,
      %mul3A_104 = arith.mulf %get3A_99, %get3A_103 : vector<16xf32>
      %add3A_105 = arith.addf %mul3A_66, %mul3A_104 : vector<16xf32>
      %get3A_106 = arith.constant 7 : i32
      %get3A_107 = arith.index_cast %get3A_106 : i32 to index
      %get3A_108 = arith.index_cast %mul3A_40 : i32 to index
      %get3A_109 = tpu.vector_load %arg7[%get3A_107, %get3A_108] {strides = array<i32>} : memref<64x512xf32, #tpu.memory_space<vmem>>, vector<16xf32>,
      %get3A_110 = arith.constant 7 : i32
      %get3A_111 = arith.index_cast %get3A_110 : i32 to index
      %get3A_112 = arith.index_cast %mul3A_40 : i32 to index
      %get3A_113 = tpu.vector_load %arg8[%get3A_111, %get3A_112] {strides = array<i32>} : memref<64x512xf32, #tpu.memory_space<vmem>>, vector<16xf32>,
      %mul3A_114 = arith.mulf %get3A_109, %get3A_113 : vector<16xf32>
      %add3A_115 = arith.addf %mul3A_75, %mul3A_114 : vector<16xf32>
      %get3A_116 = arith.constant 8 : i32
      %get3A_117 = arith.index_cast %get3A_116 : i32 to index
      %get3A_118 = arith.index_cast %mul3A_40 : i32 to index
      %get3A_119 = tpu.vector_load %arg7[%get3A_117, %get3A_118] {strides = array<i32>} : memref<64x512xf32, #tpu.memory_space<vmem>>, vector<16xf32>,
      %get3A_120 = arith.constant 8 : i32
      %get3A_121 = arith.index_cast %get3A_120 : i32 to index
      %get3A_122 = arith.index_cast %mul3A_40 : i32 to index
      %get3A_123 = tpu.vector_load %arg8[%get3A_121, %get3A_122] {strides = array<i32>} : memref<64x512xf32, #tpu.memory_space<vmem>>, vector<16xf32>,
      %mul3A_124 = arith.mulf %get3A_119, %get3A_123 : vector<16xf32>
      %add3A_125 = arith.addf %add3A_85, %mul3A_124 : vector<16xf32>
      %get3A_126 = arith.constant 9 : i32
      %get3A_127 = arith.index_cast %get3A_126 : i32 to index
      %get3A_128 = arith.index_cast %mul3A_40 : i32 to index
      %get3A_129 = tpu.vector_load %arg7[%get3A_127, %get3A_128] {strides = array<i32>} : memref<64x512xf32, #tpu.memory_space<vmem>>, vector<16xf32>,
      %get3A_130 = arith.constant 9 : i32
      %get3A_131 = arith.index_cast %get3A_130 : i32 to index
      %get3A_132 = arith.index_cast %mul3A_40 : i32 to index
      %get3A_133 = tpu.vector_load %arg8[%get3A_131, %get3A_132] {strides = array<i32>} : memref<64x512xf32, #tpu.memory_space<vmem>>, vector<16xf32>,
      %mul3A_134 = arith.mulf %get3A_129, %get3A_133 : vector<16xf32>
      %add3A_135 = arith.addf %add3A_95, %mul3A_134 : vector<16xf32>
      %get3A_136 = arith.constant 10 : i32
      %get3A_137 = arith.index_cast %get3A_136 : i32 to index
      %get3A_138 = arith.index_cast %mul3A_40 : i32 to index
      %get3A_139 = tpu.vector_load %arg7[%get3A_137, %get3A_138] {strides = array<i32>} : memref<64x512xf32, #tpu.memory_space<vmem>>, vector<16xf32>,
      %get3A_140 = arith.constant 10 : i32
      %get3A_141 = arith.index_cast %get3A_140 : i32 to index
      %get3A_142 = arith.index_cast %mul3A_40 : i32 to index
      %get3A_143 = tpu.vector_load %arg8[%get3A_141, %get3A_142] {strides = array<i32>} : memref<64x512xf32, #tpu.memory_space<vmem>>, vector<16xf32>,
      %mul3A_144 = arith.mulf %get3A_139, %get3A_143 : vector<16xf32>
      %add3A_145 = arith.addf %add3A_105, %mul3A_144 : vector<16xf32>
      %get3A_146 = arith.constant 11 : i32
      %get3A_147 = arith.index_cast %get3A_146 : i32 to index
      %get3A_148 = arith.index_cast %mul3A_40 : i32 to index
      %get3A_149 = tpu.vector_load %arg7[%get3A_147, %get3A_148] {strides = array<i32>} : memref<64x512xf32, #tpu.memory_space<vmem>>, vector<16xf32>,
      %get3A_150 = arith.constant 11 : i32
      %get3A_151 = arith.index_cast %get3A_150 : i32 to index
      %get3A_152 = arith.index_cast %mul3A_40 : i32 to index
      %get3A_153 = tpu.vector_load %arg8[%get3A_151, %get3A_152] {strides = array<i32>} : memref<64x512xf32, #tpu.memory_space<vmem>>, vector<16xf32>,
      %mul3A_154 = arith.mulf %get3A_149, %get3A_153 : vector<16xf32>
      %add3A_155 = arith.addf %add3A_115, %mul3A_154 : vector<16xf32>
      %get3A_156 = arith.constant 12 : i32
      %get3A_157 = arith.index_cast %get3A_156 : i32 to index
      %get3A_158 = arith.index_cast %mul3A_40 : i32 to index
      %get3A_159 = tpu.vector_load %arg7[%get3A_157, %get3A_158] {strides = array<i32>} : memref<64x512xf32, #tpu.memory_space<vmem>>, vector<16xf32>,
      %get3A_160 = arith.constant 12 : i32
      %get3A_161 = arith.index_cast %get3A_160 : i32 to index
      %get3A_162 = arith.index_cast %mul3A_40 : i32 to index
      %get3A_163 = tpu.vector_load %arg8[%get3A_161, %get3A_162] {strides = array<i32>} : memref<64x512xf32, #tpu.memory_space<vmem>>, vector<16xf32>,
      %mul3A_164 = arith.mulf %get3A_159, %get3A_163 : vector<16xf32>
      %add3A_165 = arith.addf %add3A_125, %mul3A_164 : vector<16xf32>
      %get3A_166 = arith.constant 13 : i32
      %get3A_167 = arith.index_cast %get3A_166 : i32 to index
      %get3A_168 = arith.index_cast %mul3A_40 : i32 to index
      %get3A_169 = tpu.vector_load %arg7[%get3A_167, %get3A_168] {strides = array<i32>} : memref<64x512xf32, #tpu.memory_space<vmem>>, vector<16xf32>,
      %get3A_170 = arith.constant 13 : i32
      %get3A_171 = arith.index_cast %get3A_170 : i32 to index
      %get3A_172 = arith.index_cast %mul3A_40 : i32 to index
      %get3A_173 = tpu.vector_load %arg8[%get3A_171, %get3A_172] {strides = array<i32>} : memref<64x512xf32, #tpu.memory_space<vmem>>, vector<16xf32>,
      %mul3A_174 = arith.mulf %get3A_169, %get3A_173 : vector<16xf32>
      %add3A_175 = arith.addf %add3A_135, %mul3A_174 : vector<16xf32>
      %get3A_176 = arith.constant 14 : i32
      %get3A_177 = arith.index_cast %get3A_176 : i32 to index
      %get3A_178 = arith.index_cast %mul3A_40 : i32 to index
      %get3A_179 = tpu.vector_load %arg7[%get3A_177, %get3A_178] {strides = array<i32>} : memref<64x512xf32, #tpu.memory_space<vmem>>, vector<16xf32>,
      %get3A_180 = arith.constant 14 : i32
      %get3A_181 = arith.index_cast %get3A_180 : i32 to index
      %get3A_182 = arith.index_cast %mul3A_40 : i32 to index
      %get3A_183 = tpu.vector_load %arg8[%get3A_181, %get3A_182] {strides = array<i32>} : memref<64x512xf32, #tpu.memory_space<vmem>>, vector<16xf32>,
      %mul3A_184 = arith.mulf %get3A_179, %get3A_183 : vector<16xf32>
      %add3A_185 = arith.addf %add3A_145, %mul3A_184 : vector<16xf32>
      %get3A_186 = arith.constant 15 : i32
      %get3A_187 = arith.index_cast %get3A_186 : i32 to index
      %get3A_188 = arith.index_cast %mul3A_40 : i32 to index
      %get3A_189 = tpu.vector_load %arg7[%get3A_187, %get3A_188] {strides = array<i32>} : memref<64x512xf32, #tpu.memory_space<vmem>>, vector<16xf32>,
      %get3A_190 = arith.constant 15 : i32
      %get3A_191 = arith.index_cast %get3A_190 : i32 to index
      %get3A_192 = arith.index_cast %mul3A_40 : i32 to index
      %get3A_193 = tpu.vector_load %arg8[%get3A_191, %get3A_192] {strides = array<i32>} : memref<64x512xf32, #tpu.memory_space<vmem>>, vector<16xf32>,
      %mul3A_194 = arith.mulf %get3A_189, %get3A_193 : vector<16xf32>
      %add3A_195 = arith.addf %add3A_155, %mul3A_194 : vector<16xf32>
      %get3A_196 = arith.constant 16 : i32
      %get3A_197 = arith.index_cast %get3A_196 : i32 to index
      %get3A_198 = arith.index_cast %mul3A_40 : i32 to index
      %get3A_199 = tpu.vector_load %arg7[%get3A_197, %get3A_198] {strides = array<i32>} : memref<64x512xf32, #tpu.memory_space<vmem>>, vector<16xf32>,
      %get3A_200 = arith.constant 16 : i32
      %get3A_201 = arith.index_cast %get3A_200 : i32 to index
      %get3A_202 = arith.index_cast %mul3A_40 : i32 to index
      %get3A_203 = tpu.vector_load %arg8[%get3A_201, %get3A_202] {strides = array<i32>} : memref<64x512xf32, #tpu.memory_space<vmem>>, vector<16xf32>,
      %mul3A_204 = arith.mulf %get3A_199, %get3A_203 : vector<16xf32>
      %add3A_205 = arith.addf %add3A_165, %mul3A_204 : vector<16xf32>
      %get3A_206 = arith.constant 17 : i32
      %get3A_207 = arith.index_cast %get3A_206 : i32 to index
      %get3A_208 = arith.index_cast %mul3A_40 : i32 to index
      %get3A_209 = tpu.vector_load %arg7[%get3A_207, %get3A_208] {strides = array<i32>} : memref<64x512xf32, #tpu.memory_space<vmem>>, vector<16xf32>,
      %get3A_210 = arith.constant 17 : i32
      %get3A_211 = arith.index_cast %get3A_210 : i32 to index
      %get3A_212 = arith.index_cast %mul3A_40 : i32 to index
      %get3A_213 = tpu.vector_load %arg8[%get3A_211, %get3A_212] {strides = array<i32>} : memref<64x512xf32, #tpu.memory_space<vmem>>, vector<16xf32>,
      %mul3A_214 = arith.mulf %get3A_209, %get3A_213 : vector<16xf32>
      %add3A_215 = arith.addf %add3A_175, %mul3A_214 : vector<16xf32>
      %get3A_216 = arith.constant 18 : i32
      %get3A_217 = arith.index_cast %get3A_216 : i32 to index
      %get3A_218 = arith.index_cast %mul3A_40 : i32 to index
      %get3A_219 = tpu.vector_load %arg7[%get3A_217, %get3A_218] {strides = array<i32>} : memref<64x512xf32, #tpu.memory_space<vmem>>, vector<16xf32>,
      %get3A_220 = arith.constant 18 : i32
      %get3A_221 = arith.index_cast %get3A_220 : i32 to index
      %get3A_222 = arith.index_cast %mul3A_40 : i32 to index
      %get3A_223 = tpu.vector_load %arg8[%get3A_221, %get3A_222] {strides = array<i32>} : memref<64x512xf32, #tpu.memory_space<vmem>>, vector<16xf32>,
      %mul3A_224 = arith.mulf %get3A_219, %get3A_223 : vector<16xf32>
      %add3A_225 = arith.addf %add3A_185, %mul3A_224 : vector<16xf32>
      %get3A_226 = arith.constant 19 : i32
      %get3A_227 = arith.index_cast %get3A_226 : i32 to index
      %get3A_228 = arith.index_cast %mul3A_40 : i32 to index
      %get3A_229 = tpu.vector_load %arg7[%get3A_227, %get3A_228] {strides = array<i32>} : memref<64x512xf32, #tpu.memory_space<vmem>>, vector<16xf32>,
      %get3A_230 = arith.constant 19 : i32
      %get3A_231 = arith.index_cast %get3A_230 : i32 to index
      %get3A_232 = arith.index_cast %mul3A_40 : i32 to index
      %get3A_233 = tpu.vector_load %arg8[%get3A_231, %get3A_232] {strides = array<i32>} : memref<64x512xf32, #tpu.memory_space<vmem>>, vector<16xf32>,
      %mul3A_234 = arith.mulf %get3A_229, %get3A_233 : vector<16xf32>
      %add3A_235 = arith.addf %add3A_195, %mul3A_234 : vector<16xf32>
      %get3A_236 = arith.constant 20 : i32
      %get3A_237 = arith.index_cast %get3A_236 : i32 to index
      %get3A_238 = arith.index_cast %mul3A_40 : i32 to index
      %get3A_239 = tpu.vector_load %arg7[%get3A_237, %get3A_238] {strides = array<i32>} : memref<64x512xf32, #tpu.memory_space<vmem>>, vector<16xf32>,
      %get3A_240 = arith.constant 20 : i32
      %get3A_241 = arith.index_cast %get3A_240 : i32 to index
      %get3A_242 = arith.index_cast %mul3A_40 : i32 to index
      %get3A_243 = tpu.vector_load %arg8[%get3A_241, %get3A_242] {strides = array<i32>} : memref<64x512xf32, #tpu.memory_space<vmem>>, vector<16xf32>,
      %mul3A_244 = arith.mulf %get3A_239, %get3A_243 : vector<16xf32>
      %add3A_245 = arith.addf %add3A_205, %mul3A_244 : vector<16xf32>
      %get3A_246 = arith.constant 21 : i32
      %get3A_247 = arith.index_cast %get3A_246 : i32 to index
      %get3A_248 = arith.index_cast %mul3A_40 : i32 to index
      %get3A_249 = tpu.vector_load %arg7[%get3A_247, %get3A_248] {strides = array<i32>} : memref<64x512xf32, #tpu.memory_space<vmem>>, vector<16xf32>,
      %get3A_250 = arith.constant 21 : i32
      %get3A_251 = arith.index_cast %get3A_250 : i32 to index
      %get3A_252 = arith.index_cast %mul3A_40 : i32 to index
      %get3A_253 = tpu.vector_load %arg8[%get3A_251, %get3A_252] {strides = array<i32>} : memref<64x512xf32, #tpu.memory_space<vmem>>, vector<16xf32>,
      %mul3A_254 = arith.mulf %get3A_249, %get3A_253 : vector<16xf32>
      %add3A_255 = arith.addf %add3A_215, %mul3A_254 : vector<16xf32>
      %get3A_256 = arith.constant 22 : i32
      %get3A_257 = arith.index_cast %get3A_256 : i32 to index
      %get3A_258 = arith.index_cast %mul3A_40 : i32 to index
      %get3A_259 = tpu.vector_load %arg7[%get3A_257, %get3A_258] {strides = array<i32>} : memref<64x512xf32, #tpu.memory_space<vmem>>, vector<16xf32>,
      %get3A_260 = arith.constant 22 : i32
      %get3A_261 = arith.index_cast %get3A_260 : i32 to index
      %get3A_262 = arith.index_cast %mul3A_40 : i32 to index
      %get3A_263 = tpu.vector_load %arg8[%get3A_261, %get3A_262] {strides = array<i32>} : memref<64x512xf32, #tpu.memory_space<vmem>>, vector<16xf32>,
      %mul3A_264 = arith.mulf %get3A_259, %get3A_263 : vector<16xf32>
      %add3A_265 = arith.addf %add3A_225, %mul3A_264 : vector<16xf32>
      %get3A_266 = arith.constant 23 : i32
      %get3A_267 = arith.index_cast %get3A_266 : i32 to index
      %get3A_268 = arith.index_cast %mul3A_40 : i32 to index
      %get3A_269 = tpu.vector_load %arg7[%get3A_267, %get3A_268] {strides = array<i32>} : memref<64x512xf32, #tpu.memory_space<vmem>>, vector<16xf32>,
      %get3A_270 = arith.constant 23 : i32
      %get3A_271 = arith.index_cast %get3A_270 : i32 to index
      %get3A_272 = arith.index_cast %mul3A_40 : i32 to index
      %get3A_273 = tpu.vector_load %arg8[%get3A_271, %get3A_272] {strides = array<i32>} : memref<64x512xf32, #tpu.memory_space<vmem>>, vector<16xf32>,
      %mul3A_274 = arith.mulf %get3A_269, %get3A_273 : vector<16xf32>
      %add3A_275 = arith.addf %add3A_235, %mul3A_274 : vector<16xf32>
      %get3A_276 = arith.constant 24 : i32
      %get3A_277 = arith.index_cast %get3A_276 : i32 to index
      %get3A_278 = arith.index_cast %mul3A_40 : i32 to index
      %get3A_279 = tpu.vector_load %arg7[%get3A_277, %get3A_278] {strides = array<i32>} : memref<64x512xf32, #tpu.memory_space<vmem>>, vector<16xf32>,
      %get3A_280 = arith.constant 24 : i32
      %get3A_281 = arith.index_cast %get3A_280 : i32 to index
      %get3A_282 = arith.index_cast %mul3A_40 : i32 to index
      %get3A_283 = tpu.vector_load %arg8[%get3A_281, %get3A_282] {strides = array<i32>} : memref<64x512xf32, #tpu.memory_space<vmem>>, vector<16xf32>,
      %mul3A_284 = arith.mulf %get3A_279, %get3A_283 : vector<16xf32>
      %add3A_285 = arith.addf %add3A_245, %mul3A_284 : vector<16xf32>
      %get3A_286 = arith.constant 25 : i32
      %get3A_287 = arith.index_cast %get3A_286 : i32 to index
      %get3A_288 = arith.index_cast %mul3A_40 : i32 to index
      %get3A_289 = tpu.vector_load %arg7[%get3A_287, %get3A_288] {strides = array<i32>} : memref<64x512xf32, #tpu.memory_space<vmem>>, vector<16xf32>,
      %get3A_290 = arith.constant 25 : i32
      %get3A_291 = arith.index_cast %get3A_290 : i32 to index
      %get3A_292 = arith.index_cast %mul3A_40 : i32 to index
      %get3A_293 = tpu.vector_load %arg8[%get3A_291, %get3A_292] {strides = array<i32>} : memref<64x512xf32, #tpu.memory_space<vmem>>, vector<16xf32>,
      %mul3A_294 = arith.mulf %get3A_289, %get3A_293 : vector<16xf32>
      %add3A_295 = arith.addf %add3A_255, %mul3A_294 : vector<16xf32>
      %get3A_296 = arith.constant 26 : i32
      %get3A_297 = arith.index_cast %get3A_296 : i32 to index
      %get3A_298 = arith.index_cast %mul3A_40 : i32 to index
      %get3A_299 = tpu.vector_load %arg7[%get3A_297, %get3A_298] {strides = array<i32>} : memref<64x512xf32, #tpu.memory_space<vmem>>, vector<16xf32>,
      %get3A_300 = arith.constant 26 : i32
      %get3A_301 = arith.index_cast %get3A_300 : i32 to index
      %get3A_302 = arith.index_cast %mul3A_40 : i32 to index
      %get3A_303 = tpu.vector_load %arg8[%get3A_301, %get3A_302] {strides = array<i32>} : memref<64x512xf32, #tpu.memory_space<vmem>>, vector<16xf32>,
      %mul3A_304 = arith.mulf %get3A_299, %get3A_303 : vector<16xf32>
      %add3A_305 = arith.addf %add3A_265, %mul3A_304 : vector<16xf32>
      %get3A_306 = arith.constant 27 : i32
      %get3A_307 = arith.index_cast %get3A_306 : i32 to index
      %get3A_308 = arith.index_cast %mul3A_40 : i32 to index
      %get3A_309 = tpu.vector_load %arg7[%get3A_307, %get3A_308] {strides = array<i32>} : memref<64x512xf32, #tpu.memory_space<vmem>>, vector<16xf32>,
      %get3A_310 = arith.constant 27 : i32
      %get3A_311 = arith.index_cast %get3A_310 : i32 to index
      %get3A_312 = arith.index_cast %mul3A_40 : i32 to index
      %get3A_313 = tpu.vector_load %arg8[%get3A_311, %get3A_312] {strides = array<i32>} : memref<64x512xf32, #tpu.memory_space<vmem>>, vector<16xf32>,
      %mul3A_314 = arith.mulf %get3A_309, %get3A_313 : vector<16xf32>
      %add3A_315 = arith.addf %add3A_275, %mul3A_314 : vector<16xf32>
      %get3A_316 = arith.constant 28 : i32
      %get3A_317 = arith.index_cast %get3A_316 : i32 to index
      %get3A_318 = arith.index_cast %mul3A_40 : i32 to index
      %get3A_319 = tpu.vector_load %arg7[%get3A_317, %get3A_318] {strides = array<i32>} : memref<64x512xf32, #tpu.memory_space<vmem>>, vector<16xf32>,
      %get3A_320 = arith.constant 28 : i32
      %get3A_321 = arith.index_cast %get3A_320 : i32 to index
      %get3A_322 = arith.index_cast %mul3A_40 : i32 to index
      %get3A_323 = tpu.vector_load %arg8[%get3A_321, %get3A_322] {strides = array<i32>} : memref<64x512xf32, #tpu.memory_space<vmem>>, vector<16xf32>,
      %mul3A_324 = arith.mulf %get3A_319, %get3A_323 : vector<16xf32>
      %add3A_325 = arith.addf %add3A_285, %mul3A_324 : vector<16xf32>
      %get3A_326 = arith.constant 29 : i32
      %get3A_327 = arith.index_cast %get3A_326 : i32 to index
      %get3A_328 = arith.index_cast %mul3A_40 : i32 to index
      %get3A_329 = tpu.vector_load %arg7[%get3A_327, %get3A_328] {strides = array<i32>} : memref<64x512xf32, #tpu.memory_space<vmem>>, vector<16xf32>,
      %get3A_330 = arith.constant 29 : i32
      %get3A_331 = arith.index_cast %get3A_330 : i32 to index
      %get3A_332 = arith.index_cast %mul3A_40 : i32 to index
      %get3A_333 = tpu.vector_load %arg8[%get3A_331, %get3A_332] {strides = array<i32>} : memref<64x512xf32, #tpu.memory_space<vmem>>, vector<16xf32>,
      %mul3A_334 = arith.mulf %get3A_329, %get3A_333 : vector<16xf32>
      %add3A_335 = arith.addf %add3A_295, %mul3A_334 : vector<16xf32>
      %get3A_336 = arith.constant 30 : i32
      %get3A_337 = arith.index_cast %get3A_336 : i32 to index
      %get3A_338 = arith.index_cast %mul3A_40 : i32 to index
      %get3A_339 = tpu.vector_load %arg7[%get3A_337, %get3A_338] {strides = array<i32>} : memref<64x512xf32, #tpu.memory_space<vmem>>, vector<16xf32>,
      %get3A_340 = arith.constant 30 : i32
      %get3A_341 = arith.index_cast %get3A_340 : i32 to index
      %get3A_342 = arith.index_cast %mul3A_40 : i32 to index
      %get3A_343 = tpu.vector_load %arg8[%get3A_341, %get3A_342] {strides = array<i32>} : memref<64x512xf32, #tpu.memory_space<vmem>>, vector<16xf32>,
      %mul3A_344 = arith.mulf %get3A_339, %get3A_343 : vector<16xf32>
      %add3A_345 = arith.addf %add3A_305, %mul3A_344 : vector<16xf32>
      %get3A_346 = arith.constant 31 : i32
      %get3A_347 = arith.index_cast %get3A_346 : i32 to index
      %get3A_348 = arith.index_cast %mul3A_40 : i32 to index
      %get3A_349 = tpu.vector_load %arg7[%get3A_347, %get3A_348] {strides = array<i32>} : memref<64x512xf32, #tpu.memory_space<vmem>>, vector<16xf32>,
      %get3A_350 = arith.constant 31 : i32
      %get3A_351 = arith.index_cast %get3A_350 : i32 to index
      %get3A_352 = arith.index_cast %mul3A_40 : i32 to index
      %get3A_353 = tpu.vector_load %arg8[%get3A_351, %get3A_352] {strides = array<i32>} : memref<64x512xf32, #tpu.memory_space<vmem>>, vector<16xf32>,
      %mul3A_354 = arith.mulf %get3A_349, %get3A_353 : vector<16xf32>
      %add3A_355 = arith.addf %add3A_315, %mul3A_354 : vector<16xf32>
      %get3A_356 = arith.constant 32 : i32
      %get3A_357 = arith.index_cast %get3A_356 : i32 to index
      %get3A_358 = arith.index_cast %mul3A_40 : i32 to index
      %get3A_359 = tpu.vector_load %arg7[%get3A_357, %get3A_358] {strides = array<i32>} : memref<64x512xf32, #tpu.memory_space<vmem>>, vector<16xf32>,
      %get3A_360 = arith.constant 32 : i32
      %get3A_361 = arith.index_cast %get3A_360 : i32 to index
      %get3A_362 = arith.index_cast %mul3A_40 : i32 to index
      %get3A_363 = tpu.vector_load %arg8[%get3A_361, %get3A_362] {strides = array<i32>} : memref<64x512xf32, #tpu.memory_space<vmem>>, vector<16xf32>,
      %mul3A_364 = arith.mulf %get3A_359, %get3A_363 : vector<16xf32>
      %add3A_365 = arith.addf %add3A_325, %mul3A_364 : vector<16xf32>
      %get3A_366 = arith.constant 33 : i32
      %get3A_367 = arith.index_cast %get3A_366 : i32 to index
      %get3A_368 = arith.index_cast %mul3A_40 : i32 to index
      %get3A_369 = tpu.vector_load %arg7[%get3A_367, %get3A_368] {strides = array<i32>} : memref<64x512xf32, #tpu.memory_space<vmem>>, vector<16xf32>,
      %get3A_370 = arith.constant 33 : i32
      %get3A_371 = arith.index_cast %get3A_370 : i32 to index
      %get3A_372 = arith.index_cast %mul3A_40 : i32 to index
      %get3A_373 = tpu.vector_load %arg8[%get3A_371, %get3A_372] {strides = array<i32>} : memref<64x512xf32, #tpu.memory_space<vmem>>, vector<16xf32>,
      %mul3A_374 = arith.mulf %get3A_369, %get3A_373 : vector<16xf32>
      %add3A_375 = arith.addf %add3A_335, %mul3A_374 : vector<16xf32>
      %get3A_376 = arith.constant 34 : i32
      %get3A_377 = arith.index_cast %get3A_376 : i32 to index
      %get3A_378 = arith.index_cast %mul3A_40 : i32 to index
      %get3A_379 = tpu.vector_load %arg7[%get3A_377, %get3A_378] {strides = array<i32>} : memref<64x512xf32, #tpu.memory_space<vmem>>, vector<16xf32>,
      %get3A_380 = arith.constant 34 : i32
      %get3A_381 = arith.index_cast %get3A_380 : i32 to index
      %get3A_382 = arith.index_cast %mul3A_40 : i32 to index
      %get3A_383 = tpu.vector_load %arg8[%get3A_381, %get3A_382] {strides = array<i32>} : memref<64x512xf32, #tpu.memory_space<vmem>>, vector<16xf32>,
      %mul3A_384 = arith.mulf %get3A_379, %get3A_383 : vector<16xf32>
      %add3A_385 = arith.addf %add3A_345, %mul3A_384 : vector<16xf32>
      %get3A_386 = arith.constant 35 : i32
      %get3A_387 = arith.index_cast %get3A_386 : i32 to index
      %get3A_388 = arith.index_cast %mul3A_40 : i32 to index
      %get3A_389 = tpu.vector_load %arg7[%get3A_387, %get3A_388] {strides = array<i32>} : memref<64x512xf32, #tpu.memory_space<vmem>>, vector<16xf32>,
      %get3A_390 = arith.constant 35 : i32
      %get3A_391 = arith.index_cast %get3A_390 : i32 to index
      %get3A_392 = arith.index_cast %mul3A_40 : i32 to index
      %get3A_393 = tpu.vector_load %arg8[%get3A_391, %get3A_392] {strides = array<i32>} : memref<64x512xf32, #tpu.memory_space<vmem>>, vector<16xf32>,
      %mul3A_394 = arith.mulf %get3A_389, %get3A_393 : vector<16xf32>
      %add3A_395 = arith.addf %add3A_355, %mul3A_394 : vector<16xf32>
      %get3A_396 = arith.constant 36 : i32
      %get3A_397 = arith.index_cast %get3A_396 : i32 to index
      %get3A_398 = arith.index_cast %mul3A_40 : i32 to index
      %get3A_399 = tpu.vector_load %arg7[%get3A_397, %get3A_398] {strides = array<i32>} : memref<64x512xf32, #tpu.memory_space<vmem>>, vector<16xf32>,
      %get3A_400 = arith.constant 36 : i32
      %get3A_401 = arith.index_cast %get3A_400 : i32 to index
      %get3A_402 = arith.index_cast %mul3A_40 : i32 to index
      %get3A_403 = tpu.vector_load %arg8[%get3A_401, %get3A_402] {strides = array<i32>} : memref<64x512xf32, #tpu.memory_space<vmem>>, vector<16xf32>,
      %mul3A_404 = arith.mulf %get3A_399, %get3A_403 : vector<16xf32>
      %add3A_405 = arith.addf %add3A_365, %mul3A_404 : vector<16xf32>
      %get3A_406 = arith.constant 37 : i32
      %get3A_407 = arith.index_cast %get3A_406 : i32 to index
      %get3A_408 = arith.index_cast %mul3A_40 : i32 to index
      %get3A_409 = tpu.vector_load %arg7[%get3A_407, %get3A_408] {strides = array<i32>} : memref<64x512xf32, #tpu.memory_space<vmem>>, vector<16xf32>,
      %get3A_410 = arith.constant 37 : i32
      %get3A_411 = arith.index_cast %get3A_410 : i32 to index
      %get3A_412 = arith.index_cast %mul3A_40 : i32 to index
      %get3A_413 = tpu.vector_load %arg8[%get3A_411, %get3A_412] {strides = array<i32>} : memref<64x512xf32, #tpu.memory_space<vmem>>, vector<16xf32>,
      %mul3A_414 = arith.mulf %get3A_409, %get3A_413 : vector<16xf32>
      %add3A_415 = arith.addf %add3A_375, %mul3A_414 : vector<16xf32>
      %get3A_416 = arith.constant 38 : i32
      %get3A_417 = arith.index_cast %get3A_416 : i32 to index
      %get3A_418 = arith.index_cast %mul3A_40 : i32 to index
      %get3A_419 = tpu.vector_load %arg7[%get3A_417, %get3A_418] {strides = array<i32>} : memref<64x512xf32, #tpu.memory_space<vmem>>, vector<16xf32>,
      %get3A_420 = arith.constant 38 : i32
      %get3A_421 = arith.index_cast %get3A_420 : i32 to index
      %get3A_422 = arith.index_cast %mul3A_40 : i32 to index
      %get3A_423 = tpu.vector_load %arg8[%get3A_421, %get3A_422] {strides = array<i32>} : memref<64x512xf32, #tpu.memory_space<vmem>>, vector<16xf32>,
      %mul3A_424 = arith.mulf %get3A_419, %get3A_423 : vector<16xf32>
      %add3A_425 = arith.addf %add3A_385, %mul3A_424 : vector<16xf32>
      %get3A_426 = arith.constant 39 : i32
      %get3A_427 = arith.index_cast %get3A_426 : i32 to index
      %get3A_428 = arith.index_cast %mul3A_40 : i32 to index
      %get3A_429 = tpu.vector_load %arg7[%get3A_427, %get3A_428] {strides = array<i32>} : memref<64x512xf32, #tpu.memory_space<vmem>>, vector<16xf32>,
      %get3A_430 = arith.constant 39 : i32
      %get3A_431 = arith.index_cast %get3A_430 : i32 to index
      %get3A_432 = arith.index_cast %mul3A_40 : i32 to index
      %get3A_433 = tpu.vector_load %arg8[%get3A_431, %get3A_432] {strides = array<i32>} : memref<64x512xf32, #tpu.memory_space<vmem>>, vector<16xf32>,
      %mul3A_434 = arith.mulf %get3A_429, %get3A_433 : vector<16xf32>
      %add3A_435 = arith.addf %add3A_395, %mul3A_434 : vector<16xf32>
      %get3A_436 = arith.constant 40 : i32
      %get3A_437 = arith.index_cast %get3A_436 : i32 to index
      %get3A_438 = arith.index_cast %mul3A_40 : i32 to index
      %get3A_439 = tpu.vector_load %arg7[%get3A_437, %get3A_438] {strides = array<i32>} : memref<64x512xf32, #tpu.memory_space<vmem>>, vector<16xf32>,
      %get3A_440 = arith.constant 40 : i32
      %get3A_441 = arith.index_cast %get3A_440 : i32 to index
      %get3A_442 = arith.index_cast %mul3A_40 : i32 to index
      %get3A_443 = tpu.vector_load %arg8[%get3A_441, %get3A_442] {strides = array<i32>} : memref<64x512xf32, #tpu.memory_space<vmem>>, vector<16xf32>,
      %mul3A_444 = arith.mulf %get3A_439, %get3A_443 : vector<16xf32>
      %add3A_445 = arith.addf %add3A_405, %mul3A_444 : vector<16xf32>
      %get3A_446 = arith.constant 41 : i32
      %get3A_447 = arith.index_cast %get3A_446 : i32 to index
      %get3A_448 = arith.index_cast %mul3A_40 : i32 to index
      %get3A_449 = tpu.vector_load %arg7[%get3A_447, %get3A_448] {strides = array<i32>} : memref<64x512xf32, #tpu.memory_space<vmem>>, vector<16xf32>,
      %get3A_450 = arith.constant 41 : i32
      %get3A_451 = arith.index_cast %get3A_450 : i32 to index
      %get3A_452 = arith.index_cast %mul3A_40 : i32 to index
      %get3A_453 = tpu.vector_load %arg8[%get3A_451, %get3A_452] {strides = array<i32>} : memref<64x512xf32, #tpu.memory_space<vmem>>, vector<16xf32>,
      %mul3A_454 = arith.mulf %get3A_449, %get3A_453 : vector<16xf32>
      %add3A_455 = arith.addf %add3A_415, %mul3A_454 : vector<16xf32>
      %get3A_456 = arith.constant 42 : i32
      %get3A_457 = arith.index_cast %get3A_456 : i32 to index
      %get3A_458 = arith.index_cast %mul3A_40 : i32 to index
      %get3A_459 = tpu.vector_load %arg7[%get3A_457, %get3A_458] {strides = array<i32>} : memref<64x512xf32, #tpu.memory_space<vmem>>, vector<16xf32>,
      %get3A_460 = arith.constant 42 : i32
      %get3A_461 = arith.index_cast %get3A_460 : i32 to index
      %get3A_462 = arith.index_cast %mul3A_40 : i32 to index
      %get3A_463 = tpu.vector_load %arg8[%get3A_461, %get3A_462] {strides = array<i32>} : memref<64x512xf32, #tpu.memory_space<vmem>>, vector<16xf32>,
      %mul3A_464 = arith.mulf %get3A_459, %get3A_463 : vector<16xf32>
      %add3A_465 = arith.addf %add3A_425, %mul3A_464 : vector<16xf32>
      %get3A_466 = arith.constant 43 : i32
      %get3A_467 = arith.index_cast %get3A_466 : i32 to index
      %get3A_468 = arith.index_cast %mul3A_40 : i32 to index
      %get3A_469 = tpu.vector_load %arg7[%get3A_467, %get3A_468] {strides = array<i32>} : memref<64x512xf32, #tpu.memory_space<vmem>>, vector<16xf32>,
      %get3A_470 = arith.constant 43 : i32
      %get3A_471 = arith.index_cast %get3A_470 : i32 to index
      %get3A_472 = arith.index_cast %mul3A_40 : i32 to index
      %get3A_473 = tpu.vector_load %arg8[%get3A_471, %get3A_472] {strides = array<i32>} : memref<64x512xf32, #tpu.memory_space<vmem>>, vector<16xf32>,
      %mul3A_474 = arith.mulf %get3A_469, %get3A_473 : vector<16xf32>
      %add3A_475 = arith.addf %add3A_435, %mul3A_474 : vector<16xf32>
      %get3A_476 = arith.constant 44 : i32
      %get3A_477 = arith.index_cast %get3A_476 : i32 to index
      %get3A_478 = arith.index_cast %mul3A_40 : i32 to index
      %get3A_479 = tpu.vector_load %arg7[%get3A_477, %get3A_478] {strides = array<i32>} : memref<64x512xf32, #tpu.memory_space<vmem>>, vector<16xf32>,
      %get3A_480 = arith.constant 44 : i32
      %get3A_481 = arith.index_cast %get3A_480 : i32 to index
      %get3A_482 = arith.index_cast %mul3A_40 : i32 to index
      %get3A_483 = tpu.vector_load %arg8[%get3A_481, %get3A_482] {strides = array<i32>} : memref<64x512xf32, #tpu.memory_space<vmem>>, vector<16xf32>,
      %mul3A_484 = arith.mulf %get3A_479, %get3A_483 : vector<16xf32>
      %add3A_485 = arith.addf %add3A_445, %mul3A_484 : vector<16xf32>
      %get3A_486 = arith.constant 45 : i32
      %get3A_487 = arith.index_cast %get3A_486 : i32 to index
      %get3A_488 = arith.index_cast %mul3A_40 : i32 to index
      %get3A_489 = tpu.vector_load %arg7[%get3A_487, %get3A_488] {strides = array<i32>} : memref<64x512xf32, #tpu.memory_space<vmem>>, vector<16xf32>,
      %get3A_490 = arith.constant 45 : i32
      %get3A_491 = arith.index_cast %get3A_490 : i32 to index
      %get3A_492 = arith.index_cast %mul3A_40 : i32 to index
      %get3A_493 = tpu.vector_load %arg8[%get3A_491, %get3A_492] {strides = array<i32>} : memref<64x512xf32, #tpu.memory_space<vmem>>, vector<16xf32>,
      %mul3A_494 = arith.mulf %get3A_489, %get3A_493 : vector<16xf32>
      %add3A_495 = arith.addf %add3A_455, %mul3A_494 : vector<16xf32>
      %get3A_496 = arith.constant 46 : i32
      %get3A_497 = arith.index_cast %get3A_496 : i32 to index
      %get3A_498 = arith.index_cast %mul3A_40 : i32 to index
      %get3A_499 = tpu.vector_load %arg7[%get3A_497, %get3A_498] {strides = array<i32>} : memref<64x512xf32, #tpu.memory_space<vmem>>, vector<16xf32>,
      %get3A_500 = arith.constant 46 : i32
      %get3A_501 = arith.index_cast %get3A_500 : i32 to index
      %get3A_502 = arith.index_cast %mul3A_40 : i32 to index
      %get3A_503 = tpu.vector_load %arg8[%get3A_501, %get3A_502] {strides = array<i32>} : memref<64x512xf32, #tpu.memory_space<vmem>>, vector<16xf32>,
      %mul3A_504 = arith.mulf %get3A_499, %get3A_503 : vector<16xf32>
      %add3A_505 = arith.addf %add3A_465, %mul3A_504 : vector<16xf32>
      %get3A_506 = arith.constant 47 : i32
      %get3A_507 = arith.index_cast %get3A_506 : i32 to index
      %get3A_508 = arith.index_cast %mul3A_40 : i32 to index
      %get3A_509 = tpu.vector_load %arg7[%get3A_507, %get3A_508] {strides = array<i32>} : memref<64x512xf32, #tpu.memory_space<vmem>>, vector<16xf32>,
      %get3A_510 = arith.constant 47 : i32
      %get3A_511 = arith.index_cast %get3A_510 : i32 to index
      %get3A_512 = arith.index_cast %mul3A_40 : i32 to index
      %get3A_513 = tpu.vector_load %arg8[%get3A_511, %get3A_512] {strides = array<i32>} : memref<64x512xf32, #tpu.memory_space<vmem>>, vector<16xf32>,
      %mul3A_514 = arith.mulf %get3A_509, %get3A_513 : vector<16xf32>
      %add3A_515 = arith.addf %add3A_475, %mul3A_514 : vector<16xf32>
      %get3A_516 = arith.constant 48 : i32
      %get3A_517 = arith.index_cast %get3A_516 : i32 to index
      %get3A_518 = arith.index_cast %mul3A_40 : i32 to index
      %get3A_519 = tpu.vector_load %arg7[%get3A_517, %get3A_518] {strides = array<i32>} : memref<64x512xf32, #tpu.memory_space<vmem>>, vector<16xf32>,
      %get3A_520 = arith.constant 48 : i32
      %get3A_521 = arith.index_cast %get3A_520 : i32 to index
      %get3A_522 = arith.index_cast %mul3A_40 : i32 to index
      %get3A_523 = tpu.vector_load %arg8[%get3A_521, %get3A_522] {strides = array<i32>} : memref<64x512xf32, #tpu.memory_space<vmem>>, vector<16xf32>,
      %mul3A_524 = arith.mulf %get3A_519, %get3A_523 : vector<16xf32>
      %add3A_525 = arith.addf %add3A_485, %mul3A_524 : vector<16xf32>
      %get3A_526 = arith.constant 49 : i32
      %get3A_527 = arith.index_cast %get3A_526 : i32 to index
      %get3A_528 = arith.index_cast %mul3A_40 : i32 to index
      %get3A_529 = tpu.vector_load %arg7[%get3A_527, %get3A_528] {strides = array<i32>} : memref<64x512xf32, #tpu.memory_space<vmem>>, vector<16xf32>,
      %get3A_530 = arith.constant 49 : i32
      %get3A_531 = arith.index_cast %get3A_530 : i32 to index
      %get3A_532 = arith.index_cast %mul3A_40 : i32 to index
      %get3A_533 = tpu.vector_load %arg8[%get3A_531, %get3A_532] {strides = array<i32>} : memref<64x512xf32, #tpu.memory_space<vmem>>, vector<16xf32>,
      %mul3A_534 = arith.mulf %get3A_529, %get3A_533 : vector<16xf32>
      %add3A_535 = arith.addf %add3A_495, %mul3A_534 : vector<16xf32>
      %get3A_536 = arith.constant 50 : i32
      %get3A_537 = arith.index_cast %get3A_536 : i32 to index
      %get3A_538 = arith.index_cast %mul3A_40 : i32 to index
      %get3A_539 = tpu.vector_load %arg7[%get3A_537, %get3A_538] {strides = array<i32>} : memref<64x512xf32, #tpu.memory_space<vmem>>, vector<16xf32>,
      %get3A_540 = arith.constant 50 : i32
      %get3A_541 = arith.index_cast %get3A_540 : i32 to index
      %get3A_542 = arith.index_cast %mul3A_40 : i32 to index
      %get3A_543 = tpu.vector_load %arg8[%get3A_541, %get3A_542] {strides = array<i32>} : memref<64x512xf32, #tpu.memory_space<vmem>>, vector<16xf32>,
      %mul3A_544 = arith.mulf %get3A_539, %get3A_543 : vector<16xf32>
      %add3A_545 = arith.addf %add3A_505, %mul3A_544 : vector<16xf32>
      %get3A_546 = arith.constant 51 : i32
      %get3A_547 = arith.index_cast %get3A_546 : i32 to index
      %get3A_548 = arith.index_cast %mul3A_40 : i32 to index
      %get3A_549 = tpu.vector_load %arg7[%get3A_547, %get3A_548] {strides = array<i32>} : memref<64x512xf32, #tpu.memory_space<vmem>>, vector<16xf32>,
      %get3A_550 = arith.constant 51 : i32
      %get3A_551 = arith.index_cast %get3A_550 : i32 to index
      %get3A_552 = arith.index_cast %mul3A_40 : i32 to index
      %get3A_553 = tpu.vector_load %arg8[%get3A_551, %get3A_552] {strides = array<i32>} : memref<64x512xf32, #tpu.memory_space<vmem>>, vector<16xf32>,
      %mul3A_554 = arith.mulf %get3A_549, %get3A_553 : vector<16xf32>
      %add3A_555 = arith.addf %add3A_515, %mul3A_554 : vector<16xf32>
      %get3A_556 = arith.constant 52 : i32
      %get3A_557 = arith.index_cast %get3A_556 : i32 to index
      %get3A_558 = arith.index_cast %mul3A_40 : i32 to index
      %get3A_559 = tpu.vector_load %arg7[%get3A_557, %get3A_558] {strides = array<i32>} : memref<64x512xf32, #tpu.memory_space<vmem>>, vector<16xf32>,
      %get3A_560 = arith.constant 52 : i32
      %get3A_561 = arith.index_cast %get3A_560 : i32 to index
      %get3A_562 = arith.index_cast %mul3A_40 : i32 to index
      %get3A_563 = tpu.vector_load %arg8[%get3A_561, %get3A_562] {strides = array<i32>} : memref<64x512xf32, #tpu.memory_space<vmem>>, vector<16xf32>,
      %mul3A_564 = arith.mulf %get3A_559, %get3A_563 : vector<16xf32>
      %add3A_565 = arith.addf %add3A_525, %mul3A_564 : vector<16xf32>
      %get3A_566 = arith.constant 53 : i32
      %get3A_567 = arith.index_cast %get3A_566 : i32 to index
      %get3A_568 = arith.index_cast %mul3A_40 : i32 to index
      %get3A_569 = tpu.vector_load %arg7[%get3A_567, %get3A_568] {strides = array<i32>} : memref<64x512xf32, #tpu.memory_space<vmem>>, vector<16xf32>,
      %get3A_570 = arith.constant 53 : i32
      %get3A_571 = arith.index_cast %get3A_570 : i32 to index
      %get3A_572 = arith.index_cast %mul3A_40 : i32 to index
      %get3A_573 = tpu.vector_load %arg8[%get3A_571, %get3A_572] {strides = array<i32>} : memref<64x512xf32, #tpu.memory_space<vmem>>, vector<16xf32>,
      %mul3A_574 = arith.mulf %get3A_569, %get3A_573 : vector<16xf32>
      %add3A_575 = arith.addf %add3A_535, %mul3A_574 : vector<16xf32>
      %get3A_576 = arith.constant 54 : i32
      %get3A_577 = arith.index_cast %get3A_576 : i32 to index
      %get3A_578 = arith.index_cast %mul3A_40 : i32 to index
      %get3A_579 = tpu.vector_load %arg7[%get3A_577, %get3A_578] {strides = array<i32>} : memref<64x512xf32, #tpu.memory_space<vmem>>, vector<16xf32>,
      %get3A_580 = arith.constant 54 : i32
      %get3A_581 = arith.index_cast %get3A_580 : i32 to index
      %get3A_582 = arith.index_cast %mul3A_40 : i32 to index
      %get3A_583 = tpu.vector_load %arg8[%get3A_581, %get3A_582] {strides = array<i32>} : memref<64x512xf32, #tpu.memory_space<vmem>>, vector<16xf32>,
      %mul3A_584 = arith.mulf %get3A_579, %get3A_583 : vector<16xf32>
      %add3A_585 = arith.addf %add3A_545, %mul3A_584 : vector<16xf32>
      %get3A_586 = arith.constant 55 : i32
      %get3A_587 = arith.index_cast %get3A_586 : i32 to index
      %get3A_588 = arith.index_cast %mul3A_40 : i32 to index
      %get3A_589 = tpu.vector_load %arg7[%get3A_587, %get3A_588] {strides = array<i32>} : memref<64x512xf32, #tpu.memory_space<vmem>>, vector<16xf32>,
      %get3A_590 = arith.constant 55 : i32
      %get3A_591 = arith.index_cast %get3A_590 : i32 to index
      %get3A_592 = arith.index_cast %mul3A_40 : i32 to index
      %get3A_593 = tpu.vector_load %arg8[%get3A_591, %get3A_592] {strides = array<i32>} : memref<64x512xf32, #tpu.memory_space<vmem>>, vector<16xf32>,
      %mul3A_594 = arith.mulf %get3A_589, %get3A_593 : vector<16xf32>
      %add3A_595 = arith.addf %add3A_555, %mul3A_594 : vector<16xf32>
      %get3A_596 = arith.constant 56 : i32
      %get3A_597 = arith.index_cast %get3A_596 : i32 to index
      %get3A_598 = arith.index_cast %mul3A_40 : i32 to index
      %get3A_599 = tpu.vector_load %arg7[%get3A_597, %get3A_598] {strides = array<i32>} : memref<64x512xf32, #tpu.memory_space<vmem>>, vector<16xf32>,
      %get3A_600 = arith.constant 56 : i32
      %get3A_601 = arith.index_cast %get3A_600 : i32 to index
      %get3A_602 = arith.index_cast %mul3A_40 : i32 to index
      %get3A_603 = tpu.vector_load %arg8[%get3A_601, %get3A_602] {strides = array<i32>} : memref<64x512xf32, #tpu.memory_space<vmem>>, vector<16xf32>,
      %mul3A_604 = arith.mulf %get3A_599, %get3A_603 : vector<16xf32>
      %add3A_605 = arith.addf %add3A_565, %mul3A_604 : vector<16xf32>
      %get3A_606 = arith.constant 57 : i32
      %get3A_607 = arith.index_cast %get3A_606 : i32 to index
      %get3A_608 = arith.index_cast %mul3A_40 : i32 to index
      %get3A_609 = tpu.vector_load %arg7[%get3A_607, %get3A_608] {strides = array<i32>} : memref<64x512xf32, #tpu.memory_space<vmem>>, vector<16xf32>,
      %get3A_610 = arith.constant 57 : i32
      %get3A_611 = arith.index_cast %get3A_610 : i32 to index
      %get3A_612 = arith.index_cast %mul3A_40 : i32 to index
      %get3A_613 = tpu.vector_load %arg8[%get3A_611, %get3A_612] {strides = array<i32>} : memref<64x512xf32, #tpu.memory_space<vmem>>, vector<16xf32>,
      %mul3A_614 = arith.mulf %get3A_609, %get3A_613 : vector<16xf32>
      %add3A_615 = arith.addf %add3A_575, %mul3A_614 : vector<16xf32>
      %get3A_616 = arith.constant 58 : i32
      %get3A_617 = arith.index_cast %get3A_616 : i32 to index
      %get3A_618 = arith.index_cast %mul3A_40 : i32 to index
      %get3A_619 = tpu.vector_load %arg7[%get3A_617, %get3A_618] {strides = array<i32>} : memref<64x512xf32, #tpu.memory_space<vmem>>, vector<16xf32>,
      %get3A_620 = arith.constant 58 : i32
      %get3A_621 = arith.index_cast %get3A_620 : i32 to index
      %get3A_622 = arith.index_cast %mul3A_40 : i32 to index
      %get3A_623 = tpu.vector_load %arg8[%get3A_621, %get3A_622] {strides = array<i32>} : memref<64x512xf32, #tpu.memory_space<vmem>>, vector<16xf32>,
      %mul3A_624 = arith.mulf %get3A_619, %get3A_623 : vector<16xf32>
      %add3A_625 = arith.addf %add3A_585, %mul3A_624 : vector<16xf32>
      %get3A_626 = arith.constant 59 : i32
      %get3A_627 = arith.index_cast %get3A_626 : i32 to index
      %get3A_628 = arith.index_cast %mul3A_40 : i32 to index
      %get3A_629 = tpu.vector_load %arg7[%get3A_627, %get3A_628] {strides = array<i32>} : memref<64x512xf32, #tpu.memory_space<vmem>>, vector<16xf32>,
      %get3A_630 = arith.constant 59 : i32
      %get3A_631 = arith.index_cast %get3A_630 : i32 to index
      %get3A_632 = arith.index_cast %mul3A_40 : i32 to index
      %get3A_633 = tpu.vector_load %arg8[%get3A_631, %get3A_632] {strides = array<i32>} : memref<64x512xf32, #tpu.memory_space<vmem>>, vector<16xf32>,
      %mul3A_634 = arith.mulf %get3A_629, %get3A_633 : vector<16xf32>
      %add3A_635 = arith.addf %add3A_595, %mul3A_634 : vector<16xf32>
      %get3A_636 = arith.constant 60 : i32
      %get3A_637 = arith.index_cast %get3A_636 : i32 to index
      %get3A_638 = arith.index_cast %mul3A_40 : i32 to index
      %get3A_639 = tpu.vector_load %arg7[%get3A_637, %get3A_638] {strides = array<i32>} : memref<64x512xf32, #tpu.memory_space<vmem>>, vector<16xf32>,
      %get3A_640 = arith.constant 60 : i32
      %get3A_641 = arith.index_cast %get3A_640 : i32 to index
      %get3A_642 = arith.index_cast %mul3A_40 : i32 to index
      %get3A_643 = tpu.vector_load %arg8[%get3A_641, %get3A_642] {strides = array<i32>} : memref<64x512xf32, #tpu.memory_space<vmem>>, vector<16xf32>,
      %mul3A_644 = arith.mulf %get3A_639, %get3A_643 : vector<16xf32>
      %add3A_645 = arith.addf %add3A_605, %mul3A_644 : vector<16xf32>
      %get3A_646 = arith.constant 61 : i32
      %get3A_647 = arith.index_cast %get3A_646 : i32 to index
      %get3A_648 = arith.index_cast %mul3A_40 : i32 to index
      %get3A_649 = tpu.vector_load %arg7[%get3A_647, %get3A_648] {strides = array<i32>} : memref<64x512xf32, #tpu.memory_space<vmem>>, vector<16xf32>,
      %get3A_650 = arith.constant 61 : i32
      %get3A_651 = arith.index_cast %get3A_650 : i32 to index
      %get3A_652 = arith.index_cast %mul3A_40 : i32 to index
      %get3A_653 = tpu.vector_load %arg8[%get3A_651, %get3A_652] {strides = array<i32>} : memref<64x512xf32, #tpu.memory_space<vmem>>, vector<16xf32>,
      %mul3A_654 = arith.mulf %get3A_649, %get3A_653 : vector<16xf32>
      %add3A_655 = arith.addf %add3A_615, %mul3A_654 : vector<16xf32>
      %get3A_656 = arith.constant 62 : i32
      %get3A_657 = arith.index_cast %get3A_656 : i32 to index
      %get3A_658 = arith.index_cast %mul3A_40 : i32 to index
      %get3A_659 = tpu.vector_load %arg7[%get3A_657, %get3A_658] {strides = array<i32>} : memref<64x512xf32, #tpu.memory_space<vmem>>, vector<16xf32>,
      %get3A_660 = arith.constant 62 : i32
      %get3A_661 = arith.index_cast %get3A_660 : i32 to index
      %get3A_662 = arith.index_cast %mul3A_40 : i32 to index
      %get3A_663 = tpu.vector_load %arg8[%get3A_661, %get3A_662] {strides = array<i32>} : memref<64x512xf32, #tpu.memory_space<vmem>>, vector<16xf32>,
      %mul3A_664 = arith.mulf %get3A_659, %get3A_663 : vector<16xf32>
      %add3A_665 = arith.addf %add3A_625, %mul3A_664 : vector<16xf32>
      %get3A_666 = arith.constant 63 : i32
      %get3A_667 = arith.index_cast %get3A_666 : i32 to index
      %get3A_668 = arith.index_cast %mul3A_40 : i32 to index
      %get3A_669 = tpu.vector_load %arg7[%get3A_667, %get3A_668] {strides = array<i32>} : memref<64x512xf32, #tpu.memory_space<vmem>>, vector<16xf32>,
      %get3A_670 = arith.constant 63 : i32
      %get3A_671 = arith.index_cast %get3A_670 : i32 to index
      %get3A_672 = arith.index_cast %mul3A_40 : i32 to index
      %get3A_673 = tpu.vector_load %arg8[%get3A_671, %get3A_672] {strides = array<i32>} : memref<64x512xf32, #tpu.memory_space<vmem>>, vector<16xf32>,
      %mul3A_674 = arith.mulf %get3A_669, %get3A_673 : vector<16xf32>
      %add3A_675 = arith.addf %add3A_635, %mul3A_674 : vector<16xf32>
      %add3A_676 = arith.addf %add3A_645, %add3A_655 : vector<16xf32>
      %add3A_677 = arith.addf %add3A_665, %add3A_675 : vector<16xf32>
      %add3A_678 = arith.addf %add3A_676, %add3A_677 : vector<16xf32>
      %swap3A = arith.index_cast %mul3A_40 : i32 to index
      %swap3A_679 = tpu.vector_load %arg9[%swap3A] {strides = array<i32>} : memref<512xf32, #tpu.memory_space<vmem>>, vector<16xf32>,
      tpu.vector_store %arg9[%swap3A], %add3A_678 {strides = array<i32>} : memref<512xf32, #tpu.memory_space<vmem>>, vector<16xf32>,
    }
    %scan3A_29 = arith.constant 32 : i32
    "tpu.region"() ({
      %run_scoped3A = tpu.sem_alloc : memref<!tpu.dma_semaphore, #tpu.memory_space<semaphore_mem>>
      %dma_start3A_38 = tpu.memref_slice %arg4[%mul3A_2] : memref<16384xf32, #tpu.memory_space<hbm>> -> memref<512xf32, #tpu.memory_space<hbm>>
      %dma_start3A_39 = tpu.memref_slice %arg4[%mul3A_2] : memref<16384xf32, #tpu.memory_space<hbm>> -> memref<512xf32, #tpu.memory_space<hbm>>
      tpu.enqueue_dma source(%arg9 : memref<512xf32, #tpu.memory_space<vmem>>) target(%dma_start3A_39 : memref<512xf32, #tpu.memory_space<hbm>>) target_semaphore(%run_scoped3A : memref<!tpu.dma_semaphore, #tpu.memory_space<semaphore_mem>>)
      %dma_wait3A_40 = tpu.memref_slice %arg4[%mul3A_2] : memref<16384xf32, #tpu.memory_space<hbm>> -> memref<512xf32, #tpu.memory_space<hbm>>
      %dma_wait3A_41 = tpu.memref_slice %arg4[%mul3A_2] : memref<16384xf32, #tpu.memory_space<hbm>> -> memref<512xf32, #tpu.memory_space<hbm>>
      tpu.wait_dma2 semaphore(%run_scoped3A : memref<!tpu.dma_semaphore, #tpu.memory_space<semaphore_mem>>) src(%arg9 : memref<512xf32, #tpu.memory_space<vmem>>) dst(%dma_wait3A_41 : memref<512xf32, #tpu.memory_space<hbm>>)
      tpu.yield
    }) : () -> ()
    %dma_wait3A_30 = arith.constant 0 : i32
    %dma_wait3A_31 = tpu.memref_slice %arg5[%dma_wait3A_30, %mul3A_2] : memref<64x16384xf32, #tpu.memory_space<hbm>> -> memref<64x512xf32, #tpu.memory_space<hbm>>
    %dma_wait3A_32 = arith.constant 0 : i32
    %dma_wait3A_33 = tpu.memref_slice %arg5[%dma_wait3A_32, %mul3A_2] : memref<64x16384xf32, #tpu.memory_space<hbm>> -> memref<64x512xf32, #tpu.memory_space<hbm>>
    tpu.wait_dma2 semaphore(%arg11 : memref<!tpu.dma_semaphore, #tpu.memory_space<semaphore_mem>>) src(%arg7 : memref<64x512xf32, #tpu.memory_space<vmem>>) dst(%dma_wait3A_33 : memref<64x512xf32, #tpu.memory_space<hbm>>)
    %dma_wait3A_34 = arith.constant 0 : i32
    %dma_wait3A_35 = tpu.memref_slice %arg6[%dma_wait3A_34, %mul3A_2] : memref<64x16384xf32, #tpu.memory_space<hbm>> -> memref<64x512xf32, #tpu.memory_space<hbm>>
    %dma_wait3A_36 = arith.constant 0 : i32
    %dma_wait3A_37 = tpu.memref_slice %arg6[%dma_wait3A_36, %mul3A_2] : memref<64x16384xf32, #tpu.memory_space<hbm>> -> memref<64x512xf32, #tpu.memory_space<hbm>>
    tpu.wait_dma2 semaphore(%arg11 : memref<!tpu.dma_semaphore, #tpu.memory_space<semaphore_mem>>) src(%arg8 : memref<64x512xf32, #tpu.memory_space<vmem>>) dst(%dma_wait3A_37 : memref<64x512xf32, #tpu.memory_space<hbm>>)
    return
  }
}

</mosaic_0001>

<sc_bundles>
// kernel: kernel.3.cloned.1.call-start
scs
__scs_entry_jumppad:
0x0: {  	(pc) =	sbr.rel $0x88, $3  }
0x1: {  	(tag) =	ssettag $0x0;
	lr =	simm.s32 $0x1  }
0x2: {  	[smem:$0x3F9F] =	sst lr;
	_ =	strace $0xD0000000  }
0x3: {  	_ = 	snop  }
0x4: {  	_ = 	snop  }
0x5: {  	_ = 	snop  }
0x6: {  	_ = 	snop  }
0x7: {  	_ = 	snop  }
__scs_overlays_trampoline_lowered:
0x8: {  	[smem:$0x3FAE] =	sst s0  }
0x9: {  	[smem:$0x3FAF] =	sst s1  }
0xa: {  	[smem:$0x3FB0] =	sst s2  }
0xb: {  	[smem:$0x3FB1] =	sst s3  }
0xc: {  	[smem:$0x3FB2] =	sst s4  }
0xd: {  	[smem:$0x3FB3] =	sst s5  }
0xe: {  	[smem:$0x3FB4] =	sst s6  }
0xf: {  	[smem:$0x3FB5] =	sst s7  }
0x10: {  	[smem:$0x3FB6] =	sst s8  }
0x11: {  	[smem:$0x3FB7] =	sst s9;
	s0 =	simm.s32 @!p0 $0x0  }
0x12: {  	s1 =	sld [smem:$0x3F9D];
	s0 =	simm.s32 @p0 $0x1  }
0x13: {  	[smem:$0x3FB8] =	sst s0;
	s0 =	simm.s32 @!p1 $0x0  }
0x14: {  	s2 =	sld [smem:$0x3F9C];
	s0 =	simm.s32 @p1 $0x1  }
0x15: {  	[smem:$0x3FB9] =	sst s0;
	s0 =	simm.s32 @!p2 $0x0  }
0x16: {  	s3 =	sld [smem:$0x3FDB];
	s0 =	simm.s32 @p2 $0x1  }
0x17: {  	s4 =	simm.s32 $0x1BF5;
	[smem:$0x3FBB] =	sst s0  }
0x18: {  	s0 =	sld [smem:$0x3F9E];
	_ =	swait.ge [sflag:s4], $0x0  }
0x19: {  	s7 =	sld [smem:$0x3F9F]  }
0x1a: {  	s8 =	sadd.s32 $0xFFFFE003, lr  }
0x1b: {  	s9 =	sadd.s32 $0xFFFFFEF7, lr;
	s5 =	simm.s32 $0xFFFFFFFF;
	p2 =	slt.u32 s8, $0xFFFFF086  }
0x1c: {  	p1 =	slt.u32 s9, $0xF7A;
	s5 =	simm.s32 @!p2 $0x0  }
0x1d: {  	s5 =	simm.s32 @p1 $0x1;
	p0 =	seq.s32 s7, s2  }
0x1e: {  	s7 =	smul.u32 @!p0 $0xF7A, s2;
	p2 =	seq.s32 @!p0 s5, $0x0  }
0x1f: {  	s9 =	smul.u32 $0xF7A, s1;
	s8 =	simm.s32 @!p0 $0x1BF5;
	p2 =	por !p2, p0  }
0x20: {  	[sflag:s8] =	ssyncset.s32 @!p0 $0xFFFFF086;
	s6 =	sadd.s32 @!p0 s3, s7;
	s7 =	simm.s32 @!p0 $0x108  }
0x21: {  	s3 =	sadd.s32 s3, s9;
	s6 =	sadd.s32 @!p0 $0x88, s6;
	s7 =	simm.s32 @p2 $0x1082  }
0x22: {  	[simem:s7], [sflag:s8] =	dma.local @!p0 [hbm:s6], $0xF7A  }
0x23: {  	s9 =	sor.u32 $0xD0000000, s2;
	s6 =	simm.s32 $0x108;
	_ =	swait.ge @!p0 [sflag:s8], $0x0  }
0x24: {  	s3 =	sadd.s32 $0x88, s3;
	s6 =	simm.s32 @!p1 $0x1082;
	[sflag:s4] =	ssyncset.s32 $0xFFFFF086  }
0x25: {  	[simem:s6], [sflag:s4] =	dma.local [hbm:s3], $0xF7A  }
0x26: {  	[smem:$0x3F9F] =	sst s1;
	(tag) =	ssettag s2;
	_ =	strace s9  }
0x27: {  	s1 =	sld [smem:$0x3FAF]  }
0x28: {  	s2 =	sld [smem:$0x3FB0]  }
0x29: {  	s4 =	sld [smem:$0x3FB2]  }
0x2a: {  	p0 =	seq.s32 s5, $0x0;
	s5 =	sld [smem:$0x3FB3]  }
0x2b: {  	s6 =	sld [smem:$0x3FB4]  }
0x2c: {  	s7 =	sld [smem:$0x3FB5]  }
0x2d: {  	s3 =	simm.s32 $0x108;
	s8 =	sld [smem:$0x3FB6]  }
0x2e: {  	s3 =	simm.s32 @!p0 $0x1082;
	s9 =	sld [smem:$0x3FB7]  }
0x2f: {  	lr =	sadd.s32 s0, s3;
	s0 =	sld [smem:$0x3FAE]  }
0x30: {  	s3 =	sld [smem:$0x3FB1]  }
0x31: {  	[smem:$0x3FBA] =	sst s10  }
0x32: {  	s10 =	sld [smem:$0x3FB8];
	_ =	sdelay $0x3  }
0x33: {  	p0 =	seq.s32 s10, $0x1;
	s10 =	sld [smem:$0x3FBA];
	_ =	sdelay $0x3  }
0x34: {  	[smem:$0x3FBA] =	sst s10  }
0x35: {  	s10 =	sld [smem:$0x3FB9];
	_ =	sdelay $0x3  }
0x36: {  	p1 =	seq.s32 s10, $0x1;
	s10 =	sld [smem:$0x3FBA];
	_ =	sdelay $0x3  }
0x37: {  	[smem:$0x3FBA] =	sst s10  }
0x38: {  	s10 =	sld [smem:$0x3FBB]  }
0x39: {  	_ = 	snop;
	(pc) =	sbr.ind lr, $3  }
0x3a: {  	_ = 	snop  }
0x3b: {  	_ = 	snop  }
0x3c: {  	p2 =	seq.s32 s10, $0x1;
	s10 =	sld [smem:$0x3FBA]  }
0x3d: {  	_ =	shalt  }
0x3e: {  	_ =	shalt  }
0x3f: {  	_ =	shalt  }
0x40: {  	_ =	shalt  }
0x41: {  	_ =	shalt  }
0x42: {  	_ =	shalt  }
0x43: {  	_ =	shalt  }
0x44: {  	_ =	shalt  }
0x45: {  	_ =	shalt  }
0x46: {  	_ =	shalt  }
0x47: {  	_ =	shalt  }
0x48: {  	_ =	shalt  }
0x49: {  	_ =	shalt  }
0x4a: {  	_ =	shalt  }
0x4b: {  	_ =	shalt  }
0x4c: {  	_ =	shalt  }
0x4d: {  	_ =	shalt  }
0x4e: {  	_ =	shalt  }
0x4f: {  	_ =	shalt  }
0x50: {  	_ =	shalt  }
0x51: {  	_ =	shalt  }
0x52: {  	_ =	shalt  }
0x53: {  	_ =	shalt  }
0x54: {  	_ =	shalt  }
0x55: {  	_ =	shalt  }
0x56: {  	_ =	shalt  }
0x57: {  	_ =	shalt  }
0x58: {  	_ =	shalt  }
0x59: {  	_ =	shalt  }
0x5a: {  	_ =	shalt  }
0x5b: {  	_ =	shalt  }
0x5c: {  	_ =	shalt  }
0x5d: {  	_ =	shalt  }
0x5e: {  	_ =	shalt  }
0x5f: {  	_ =	shalt  }
0x60: {  	_ =	shalt  }
0x61: {  	_ =	shalt  }
0x62: {  	_ =	shalt  }
0x63: {  	_ =	shalt  }
0x64: {  	_ =	shalt  }
0x65: {  	_ =	shalt  }
0x66: {  	_ =	shalt  }
0x67: {  	_ =	shalt  }
0x68: {  	_ =	shalt  }
0x69: {  	_ =	shalt  }
0x6a: {  	_ =	shalt  }
0x6b: {  	_ =	shalt  }
0x6c: {  	_ =	shalt  }
0x6d: {  	_ =	shalt  }
0x6e: {  	_ =	shalt  }
0x6f: {  	_ =	shalt  }
0x70: {  	_ =	shalt  }
0x71: {  	_ =	shalt  }
0x72: {  	_ =	shalt  }
0x73: {  	_ =	shalt  }
0x74: {  	_ =	shalt  }
0x75: {  	_ =	shalt  }
0x76: {  	_ =	shalt  }
0x77: {  	_ =	shalt  }
0x78: {  	_ =	shalt  }
0x79: {  	_ =	shalt  }
0x7a: {  	_ =	shalt  }
0x7b: {  	_ =	shalt  }
0x7c: {  	_ =	shalt  }
0x7d: {  	_ =	shalt  }
0x7e: {  	_ =	shalt  }
0x7f: {  	_ =	shalt  }
0x80: {  	_ =	shalt  }
0x81: {  	_ =	shalt  }
0x82: {  	_ =	shalt  }
0x83: {  	_ =	shalt  }
0x84: {  	_ =	shalt  }
0x85: {  	_ =	shalt  }
0x86: {  	_ =	shalt  }
0x87: {  	_ =	shalt  }
.Lfunc_end0:
.L_simem_size_0:
called_computation_lowered:
.L_overlay_start_0:
0x88: {  	s2 =	sld [smem:$0x3FD9]  }
0x89: {  	s3 =	sld [smem:$0x3FFE];
	_ =	sdelay $0x1  }
0x8a: {  	s1 =	srdreg.scid  }
0x8b: {  	s0 =	sand.u32 $0x1, s1  }
0x8c: {  	s15 =	sshll.u32 s0, $0xA;
	s2 =	sadd.s32 s3, s2  }
0x8d: {  	s2 =	sadd.s32 s2, s15  }
0x8e: {  	[smem:$0x3FC6] =	sst s2  }
0x8f: {  	_ = 	snop  }
0x90: {  	s2 =	sld [smem:$0x3FD0];
	_ =	sdelay $0x1  }
0x91: {  	s16 =	sld [smem:$0x3FC9]  }
0x92: {  	s5 =	simm.s32 $0xA;
	s6 =	simm.s32 $0x10;
	s4 =	sld [smem:$0x3FC8]  }
0x93: {  	[smem:s6], [sflag:s5] =	dma.local [hbm:s2], $0x1  }
0x94: {  	_ =	swait.eq [sflag:s5], $0x1  }
0x95: {  	s17 =	sld [smem:$0x10];
	[sflag:s5] =	ssyncset.done $0x0  }
0x96: {  	s18 =	sld [smem:$0x11];
	[sflag:s5] =	ssyncadd.s32 $0xFFFFFFFF  }
0x97: {  	s19 =	sld [smem:$0x12];
	(tm) =	ssettm $0x1  }
0x98: {  	s7 =	sld [smem:$0x3FFB];
	_ =	sdelay $0x3  }
0x99: {  	_ =	strace s7  }
0x9a: {  	s7 =	sld [smem:$0x3FFC];
	_ =	sdelay $0x3  }
0x9b: {  	_ =	strace s7  }
0x9c: {  	s7 =	sld [smem:$0x3FFD];
	_ =	sdelay $0x3  }
0x9d: {  	_ =	strace s7  }
0x9e: {  	_ =	strace $0x8FFFFFFF  }
0x9f: {  	s20 =	sld [smem:$0x3FDB];
	_ =	sdelay $0x1  }
0xa0: {  	s8 =	simm.s32 $_scs_section_size  }
0xa1: {  	s9 =	simm.s32 $_size__tile_overlayer_lowered;
	s10 =	simm.s32 $_tile_overlayer_lowered  }
0xa2: {  	s23 =	simm.s32 $0x1BFF;
	s22 =	sshll.u32 s10, $0x1;
	s7 =	sadd.s32 s8, s20  }
0xa3: {  	s11 =	simm.s32 $0x0;
	s21 =	sshll.u32 s9, $0x1;
	s9 =	sadd.s32 s22, s7  }
0xa4: {  	[timem:s11], [sflag:s23] =	dma.local [hbm:s9], s21  }
0xa5: {  	_ =	swait.ge [sflag:s23], s21  }
0xa6: {  	s8 =	ssub.s32 $0x0, s21;
	[sflag:s23] =	ssyncset.done $0x0  }
0xa7: {  	[sflag:s23] =	ssyncadd.s32 s8;
	_ =	sdelay $0x1  }
0xa8: {  	s24 =	simm.s32 $0x1B8B  }
0xa9: {  	_ =	swait.ge [sflag:s24], $0x1  }
0xaa: {  	[sflag:s24] =	ssyncset.done $0x0  }
0xab: {  	s25 =	simm.s32 $0x1B8E;
	[sflag:s24] =	ssyncadd.s32 $0xFFFFFFFF  }
0xac: {  	s26 =	simm.s32 $execute0_lowered;
	[smem:$0x3FD2] =	sst s25  }
0xad: {  	s8 =	sshll.u32 s26, $0x1;
	_ =	strace $0x80000046;
	[dreg:$0x1] =	wrdreg $0xFFFFFFFF  }
0xae: {  	s28 =	simm.s32 $_size_execute0_lowered;
	s7 =	sadd.s32 s7, s8;
	[dreg:$0x0] =	wrdreg $0x0  }
0xaf: {  	s8 =	sshll.u32 s28, $0x1;
	[dreg:$0x2] =	wrdreg s7  }
0xb0: {  	[dreg:$0x3] =	wrdreg s8  }
0xb1: {  	[dreg:$0x4] =	wrdreg $0xC0  }
0xb2: {  	_ =	task [dreg:s11], $0x5FFFF  }
0xb3: {  	[dreg:$0x1] =	wrdreg $0xFFFFFFFF  }
0xb4: {  	[dreg:$0x0] =	wrdreg $0x60  }
0xb5: {  	[dreg:$0x2] =	wrdreg s16  }
0xb6: {  	[dreg:$0x3] =	wrdreg s4  }
0xb7: {  	[dreg:$0x4] =	wrdreg s17  }
0xb8: {  	[dreg:$0x5] =	wrdreg s18  }
0xb9: {  	[dreg:$0x6] =	wrdreg s19  }
0xba: {  	[dreg:$0x7] =	wrdreg $0x9  }
0xbb: {  	_ =	task.clear_ibuf [dreg:s11], $0x8FFFF;
	_ =	strace $0x90000046  }
0xbc: {  	s29 =	simm.s32 $0x9;
	_ =	strace $0x80000048  }
0xbd: {  	_ =	swait.ge [sflag:s29], $0x1  }
0xbe: {  	[sflag:s29] =	ssyncadd.s32 $0xFFFFFFFF  }
0xbf: {  	_ =	strace $0x90000048  }
0xc0: {  	_ =	sfence  }
0xc1: {  	s30 =	sld [smem:$0x0];
	_ =	sdelay $0x2  }
0xc2: {  	s31 =	sshll.u32 s1, $0xD;
	s1 =	sshrl.u32 s1, $0x2  }
0xc3: {  	s3 =	sand.u32 $0x4000, s31;
	s1 =	sadd.s32 s1, s30  }
0xc4: {  	s0 =	sor.u32 s3, s0;
	s1 =	sshll.u32 s1, $0x11  }
0xc5: {  	s0 =	sor.u32 s1, s0  }
0xc6: {  	s0 =	sadd.s32 $0x8F2B, s0  }
0xc7: {  	[sflag:s0] =	ssyncadd.remote.s32 $0x1  }
0xc8: {  	_ =	sfence.sel $0xFFFF  }
0xc9: {  	[dreg:$0x0] =	wrdreg $0xFFFFFFFF;
	(pc) =	sbr.abs _section_cstart, $3  }
0xca: {  	[dreg:$0x1] =	wrdreg $0xFFFFFFFF  }
0xcb: {  	_ =	task.clear_ibuf [dreg:s11], $0x2FFFF;
	_ =	strace $0x9FFFFFFF  }
0xcc: {  	(tm) =	ssettm $0x7FFFFFFF  }
0xcd: {  	_ =	shalt  }
tec
execute0_lowered:
.L_overlay_start_1:
0x0: {  	(tag) =	ssettag $0x1  }
0x1: {  	s3 =	rddreg [dreg:$0x0]  }
0x2: {  	s4 =	rddreg [dreg:$0x1]  }
0x3: {  	s7 =	rddreg [dreg:$0x2]  }
0x4: {  	s5 =	rddreg [dreg:$0x3]  }
0x5: {  	s6 =	rddreg [dreg:$0x4];
	s1 =	srdreg.scid  }
0x6: {  	s0 =	rddreg [dreg:$0x5];
	s2 =	simm.s32 $0x0;
	s12 =	simm.s32 $0x1  }
0x7: {  	s13 =	simm.s32 $0x10000;
	s14 =	simm.s32 $0x3;
	s15 =	simm.s32 $0x2  }
0x8: {  	s16 =	simm.s32 $0x0;
	s8 =	sand.u32 $0x1, s1;
	s1 =	stileid.u32  }
0x9: {  	[smem:$0x7FF] =	sst s2;
	s9 =	ssub.s32 $0x2, s8;
	s11 =	sshll.u32 s1, $0xA  }
0xa: {  	s8 =	sshll.u32 s8, $0x9;
	_ =	strace $0x80000047;
	s10 =	sshrl.u32 s9, $0x1  }
0xb: {  	s8 =	sor.u32 s8, s11;
	s11 =	simm.s32 $0x8000;
	s9 =	ssub.s32 s9, s10  }
0xc: {  	s3 =	sadd.s32 s3, s8;
	s4 =	sadd.s32 s4, s8;
	s31 =	sshrl.u32 s8, $0x3  }
0xd: {  	s5 =	sadd.s32 s5, s8;
	s6 =	sadd.s32 s6, s8;
	s10 =	simm.s32 $0x20000  }
0xe: {  	s7 =	sadd.s32 s7, s31;
	s8 =	smax.u32 s9, $0x1;
	s9 =	simm.s32 $0x1000  }
.LBB2_1:
0xf: {  	[tilespmem:s2], [sflag:$0x1] =	stream.strided.gather [hbm4b:s3+s9], $0x8000, s10, s9, $0x38;
	[tilespmem:$0x10200] =	vst v63  }
0x10: {  	_ = 	snop  }
0x11: {  	[tilespmem:s11], [sflag:$0x1] =	stream.strided.gather [hbm4b:s4+s9], $0x8000, s10, s9, $0x38;
	[tilespmem:$0x10200] =	vst v63  }
0x12: {  	_ =	swait.ge [sflag:s12], $0x8000  }
0x13: {  	[sflag:s12] =	ssyncset.done $0x0  }
0x14: {  	[sflag:s12] =	ssyncadd.s32 $0xFFFF8000  }
0x15: {  	_ =	swait.ge [sflag:s12], $0x8000  }
0x16: {  	[sflag:s12] =	ssyncset.done $0x0  }
0x17: {  	s17 =	sand.u32 $0x70, s2;
	s18 =	sand.u32 $0xC00, s2;
	[sflag:s12] =	ssyncadd.s32 $0xFFFF8000  }
0x18: {  	[hbm4b:s5+s9] =	stream.strided.scatter [tilespmem:s2], [sflag:$0x2], $0x8000, s10, s9, $0x38;
	[tilespmem:$0x10200] =	vst v63  }
0x19: {  	s17 =	sor.u32 s17, s18  }
0x1a: {  	[hbm4b:s6+s9] =	stream.strided.scatter [tilespmem:s11], [sflag:$0x2], $0x8000, s10, s9, $0x38;
	[tilespmem:$0x10200] =	vst v63  }
0x1b: {  	v0 =	vld [tilespmem:s17+$0x7300];
	_ =	sdelay $0x4  }
0x1c: {  	[tilespmem:$0x1FDC0] =	vst v0;
	v0 =	vld [tilespmem:s17+$0xF300];
	_ =	sdelay $0x4  }
0x1d: {  	[tilespmem:$0x1FDD0] =	vst v0;
	v0 =	vld [tilespmem:s17+$0x7100];
	_ =	sdelay $0x4  }
0x1e: {  	[tilespmem:$0x1FDA0] =	vst v0;
	v0 =	vld [tilespmem:s17+$0xF100];
	_ =	sdelay $0x4  }
0x1f: {  	[tilespmem:$0x1FDB0] =	vst v0;
	v0 =	vld [tilespmem:s17+$0x6300];
	_ =	sdelay $0x3  }
0x20: {  	v28 =	vld [tilespmem:s17+$0x7200]  }
0x21: {  	[tilespmem:$0x1FD80] =	vst v0;
	v0 =	vld [tilespmem:s17+$0xE300]  }
0x22: {  	v24 =	vld [tilespmem:s17+$0xF200]  }
0x23: {  	v25 =	vld [tilespmem:s17+$0x7280]  }
0x24: {  	v21 =	vld [tilespmem:s17+$0xF280]  }
0x25: {  	v18 =	vld [tilespmem:s17+$0x7000]  }
0x26: {  	[tilespmem:$0x1FD90] =	vst v0;
	v0 =	vld [tilespmem:s17+$0x6100]  }
0x27: {  	v19 =	vld [tilespmem:s17+$0xF000]  }
0x28: {  	v22 =	vld [tilespmem:s17+$0x7080]  }
0x29: {  	v23 =	vld [tilespmem:s17+$0xF080]  }
0x2a: {  	v26 =	vld [tilespmem:s17+$0x6200]  }
0x2b: {  	[tilespmem:$0x1FD60] =	vst v0;
	v0 =	vld [tilespmem:s17+$0xE100]  }
0x2c: {  	v27 =	vld [tilespmem:s17+$0xE200]  }
0x2d: {  	v29 =	vld [tilespmem:s17+$0x6280]  }
0x2e: {  	v30 =	vld [tilespmem:s17+$0xE280]  }
0x2f: {  	v31 =	vld [tilespmem:s17+$0x6000]  }
0x30: {  	[tilespmem:$0x1FD70] =	vst v0;
	v0 =	vld [tilespmem:s17+$0x5300]  }
0x31: {  	v32 =	vld [tilespmem:s17+$0xE000]  }
0x32: {  	v33 =	vld [tilespmem:s17+$0x6080]  }
0x33: {  	v34 =	vld [tilespmem:s17+$0xE080]  }
0x34: {  	v35 =	vld [tilespmem:s17+$0x5200]  }
0x35: {  	[tilespmem:$0x1FD40] =	vst v0;
	v0 =	vld [tilespmem:s17+$0xD300]  }
0x36: {  	v36 =	vld [tilespmem:s17+$0xD200]  }
0x37: {  	v37 =	vld [tilespmem:s17+$0x5280]  }
0x38: {  	v38 =	vld [tilespmem:s17+$0xD280]  }
0x39: {  	v39 =	vld [tilespmem:s17+$0x5000]  }
0x3a: {  	[tilespmem:$0x1FD50] =	vst v0;
	v0 =	vld [tilespmem:s17+$0x5100]  }
0x3b: {  	v40 =	vld [tilespmem:s17+$0xD000]  }
0x3c: {  	v41 =	vld [tilespmem:s17+$0x5080]  }
0x3d: {  	v42 =	vld [tilespmem:s17+$0xD080]  }
0x3e: {  	v43 =	vld [tilespmem:s17+$0x4200]  }
0x3f: {  	[tilespmem:$0x1FD20] =	vst v0;
	v0 =	vld [tilespmem:s17+$0xD100]  }
0x40: {  	v44 =	vld [tilespmem:s17+$0xC200]  }
0x41: {  	v45 =	vld [tilespmem:s17+$0x4280]  }
0x42: {  	v46 =	vld [tilespmem:s17+$0xC280]  }
0x43: {  	v47 =	vld [tilespmem:s17+$0x4000]  }
0x44: {  	[tilespmem:$0x1FD30] =	vst v0;
	v0 =	vld [tilespmem:s17+$0x4300]  }
0x45: {  	v48 =	vld [tilespmem:s17+$0xC000]  }
0x46: {  	v49 =	vld [tilespmem:s17+$0x4080]  }
0x47: {  	v50 =	vld [tilespmem:s17+$0xC080]  }
0x48: {  	v51 =	vld [tilespmem:s17+$0x3200]  }
0x49: {  	[tilespmem:$0x1FD00] =	vst v0;
	v0 =	vld [tilespmem:s17+$0xC300]  }
0x4a: {  	v52 =	vld [tilespmem:s17+$0xB200]  }
0x4b: {  	v53 =	vld [tilespmem:s17+$0x3280]  }
0x4c: {  	v54 =	vld [tilespmem:s17+$0xB280]  }
0x4d: {  	v55 =	vld [tilespmem:s17+$0x3000]  }
0x4e: {  	[tilespmem:$0x1FD10] =	vst v0;
	v0 =	vld [tilespmem:s17+$0x4100]  }
0x4f: {  	v56 =	vld [tilespmem:s17+$0xB000]  }
0x50: {  	v57 =	vld [tilespmem:s17+$0x3080]  }
0x51: {  	v58 =	vld [tilespmem:s17+$0xB080]  }
0x52: {  	v60 =	vld [tilespmem:s17+$0x2200]  }
0x53: {  	[tilespmem:$0x1FCE0] =	vst v0;
	v0 =	vld [tilespmem:s17+$0xC100]  }
0x54: {  	v61 =	vld [tilespmem:s17+$0xA200]  }
0x55: {  	v62 =	vld [tilespmem:s17+$0x2280]  }
0x56: {  	v63 =	vld [tilespmem:s17+$0xA280]  }
0x57: {  	v14 =	vld [tilespmem:s17+$0x2000]  }
0x58: {  	[tilespmem:$0x1FCF0] =	vst v0;
	v0 =	vld [tilespmem:s17+$0x3300]  }
0x59: {  	v12 =	vld [tilespmem:s17+$0xA000]  }
0x5a: {  	v13 =	vld [tilespmem:s17+$0x2080]  }
0x5b: {  	v11 =	vld [tilespmem:s17+$0xA080]  }
0x5c: {  	v59 =	vld [tilespmem:s17+$0xA100]  }
0x5d: {  	[tilespmem:$0x1FCC0] =	vst v0;
	v0 =	vld [tilespmem:s17+$0xB300]  }
0x5e: {  	v10 =	vld [tilespmem:s17+$0x1200]  }
0x5f: {  	v8 =	vld [tilespmem:s17+$0x9200]  }
0x60: {  	v9 =	vld [tilespmem:s17+$0x1280]  }
0x61: {  	v6 =	vld [tilespmem:s17+$0x9280]  }
0x62: {  	[tilespmem:$0x1FCD0] =	vst v0;
	v0 =	vld [tilespmem:s17+$0x3100]  }
0x63: {  	v20 =	vld [tilespmem:s17+$0x1300]  }
0x64: {  	v17 =	vld [tilespmem:s17+$0x9300]  }
0x65: {  	v7 =	vld [tilespmem:s17+$0x1000]  }
0x66: {  	v4 =	vld [tilespmem:s17+$0x9000]  }
0x67: {  	[tilespmem:$0x1FCA0] =	vst v0;
	v0 =	vld [tilespmem:s17+$0xB100]  }
0x68: {  	v5 =	vld [tilespmem:s17+$0x1080]  }
0x69: {  	v3 =	vld [tilespmem:s17+$0x9080]  }
0x6a: {  	v16 =	vld [tilespmem:s17+$0x1100]  }
0x6b: {  	v15 =	vld [tilespmem:s17+$0x9100]  }
0x6c: {  	[tilespmem:$0x1FCB0] =	vst v0;
	v0 =	vld [tilespmem:s17+$0x2300]  }
0x6d: {  	v2 =	vld [tilespmem:s17+$0x8000]  }
0x6e: {  	v1 =	vld [tilespmem:s17+$0x200]  }
0x6f: {  	v24 =	vmul.f32 v24, v28;
	v28 =	vld [tilespmem:s17+$0x8200]  }
0x70: {  	v25 =	vmul.f32 v21, v25;
	v21 =	vmul.f32 v19, v18;
	v19 =	vld [tilespmem:s17+$0x80]  }
0x71: {  	[tilespmem:$0x1FC80] =	vst v0;
	v0 =	vld [tilespmem:s17+$0xA300]  }
0x72: {  	v29 =	vmul.f32 v30, v29;
	v30 =	vld [tilespmem:s17+$0x8080]  }
0x73: {  	v18 =	vmul.f32 v27, v26;
	v26 =	vmul.f32 v36, v35;
	v35 =	vld [tilespmem:s17+$0x100]  }
0x74: {  	s25 =	sand.u32 $0xFFFFFC00, s2;
	v27 =	vmul.f32 v38, v37;
	v38 =	vld [tilespmem:s17+$0x8100]  }
0x75: {  	s18 =	sadd.s32 $0x0, s25;
	v53 =	vmul.f32 v54, v53;
	v54 =	vld [tilespmem:s17+$0x8300]  }
0x76: {  	s19 =	sor.u32 $0x180, s18;
	[tilespmem:$0x1FC90] =	vst v0;
	v0 =	vld [tilespmem:s17+$0x2100]  }
0x77: {  	v57 =	vmul.f32 v58, v57;
	v58 =	vld [tilespmem:s19+$0x0]  }
0x78: {  	[tilespmem:$0x1FDE0] =	vst v24;
	v24 =	vmul.f32 v23, v22;
	v22 =	vmul.f32 v32, v31;
	v31 =	vld [tilespmem:s17+$0x280]  }
0x79: {  	v32 =	vld [tilespmem:s17+$0x8280]  }
0x7a: {  	v23 =	vmul.f32 v34, v33;
	v34 =	vmul.f32 v42, v41;
	v41 =	vld [tilespmem:s17+$0x300]  }
0x7b: {  	[tilespmem:$0x1FC70] =	vst v0;
	v0 =	vld [tilespmem:s17+$0x0];
	s17 =	sor.u32 s2, s2  }
0x7c: {  	v60 =	vmul.f32 v61, v60;
	v61 =	vmul.f32 v63, v62;
	v62 =	vld [tilespmem:s19+$0x8000];
	s20 =	sor.u32 $0x380, s17  }
0x7d: {  	v12 =	vmul.f32 v12, v14;
	v11 =	vmul.f32 v11, v13;
	v13 =	vld [tilespmem:s20+$0x0]  }
0x7e: {  	s26 =	sor.u32 $0x1180, s18;
	v8 =	vmul.f32 v8, v10;
	v6 =	vmul.f32 v6, v9;
	v9 =	vld [tilespmem:s20+$0x8000]  }
0x7f: {  	v4 =	vmul.f32 v4, v7;
	v3 =	vmul.f32 v3, v5;
	v5 =	vld [tilespmem:s26+$0x0];
	s28 =	sor.u32 $0x1380, s17  }
0x80: {  	v1 =	vmul.f32 v28, v1;
	v7 =	vmul.f32 v30, v19;
	v14 =	vld [tilespmem:s28+$0x0]  }
0x81: {  	v10 =	vmul.f32 v32, v31;
	v0 =	vmul.f32 v2, v0;
	v2 =	vld [tilespmem:s26+$0x8000]  }
0x82: {  	s29 =	sor.u32 $0x2180, s18;
	v63 =	vmul.f32 v38, v35;
	v28 =	vmul.f32 v54, v41;
	v30 =	vld [tilespmem:s28+$0x8000]  }
0x83: {  	v9 =	vmul.f32 v9, v13;
	v13 =	vld [tilespmem:s29+$0x0];
	v0 =	vadd.f32 v1, v0;
	v1 =	vadd.f32 v10, v7  }
0x84: {  	s30 =	sor.u32 $0x2380, s17;
	v7 =	vmul.f32 v15, v16;
	v10 =	vld [tilespmem:s29+$0x8000];
	v15 =	vadd.f32 v28, v63  }
0x85: {  	v0 =	vadd.f32 v4, v0;
	v1 =	vadd.f32 v3, v1;
	v4 =	vld [tilespmem:s30+$0x8000]  }
0x86: {  	v31 =	vmul.f32 v62, v58;
	v2 =	vmul.f32 v2, v5;
	v5 =	vld [tilespmem:s30+$0x0]  }
0x87: {  	s31 =	sor.u32 $0x3180, s18;
	v3 =	vmul.f32 v17, v20;
	v7 =	vadd.f32 v7, v15;
	v1 =	vadd.f32 v6, v1;
	v6 =	vld [tilespmem:$0x1FC70]  }
0x88: {  	v9 =	vadd.f32 v9, v31;
	v0 =	vadd.f32 v8, v0;
	v8 =	vld [tilespmem:s31+$0x8000]  }
0x89: {  	v3 =	vadd.f32 v3, v7;
	v7 =	vmul.f32 v10, v13;
	v10 =	vld [tilespmem:$0x1FC80]  }
0x8a: {  	v2 =	vadd.f32 v2, v9;
	v9 =	vmul.f32 v30, v14;
	v1 =	vadd.f32 v11, v1;
	v11 =	vld [tilespmem:$0x1FC90]  }
0x8b: {  	v14 =	vld [tilespmem:s31+$0x0]  }
0x8c: {  	s20 =	sor.u32 $0x3380, s17;
	v0 =	vadd.f32 v12, v0;
	v12 =	vld [tilespmem:$0x1FCD0];
	v2 =	vadd.f32 v9, v2  }
0x8d: {  	v9 =	vld [tilespmem:s20+$0x0]  }
0x8e: {  	v6 =	vmul.f32 v59, v6;
	v2 =	vadd.f32 v7, v2;
	v7 =	vld [tilespmem:$0x1FCB0]  }
0x8f: {  	v10 =	vmul.f32 v11, v10;
	v11 =	vld [tilespmem:s20+$0x8000]  }
0x90: {  	s21 =	sor.u32 $0x4180, s18;
	v4 =	vmul.f32 v4, v5;
	v3 =	vadd.f32 v6, v3;
	v6 =	vld [tilespmem:$0x1FCA0]  }
0x91: {  	v5 =	vld [tilespmem:s21+$0x0]  }
0x92: {  	s22 =	sor.u32 $0x4380, s17;
	v2 =	vadd.f32 v4, v2;
	v4 =	vmul.f32 v8, v14;
	v3 =	vadd.f32 v10, v3;
	v10 =	vld [tilespmem:$0x1FCC0]  }
0x93: {  	v8 =	vld [tilespmem:s22+$0x0]  }
0x94: {  	v2 =	vadd.f32 v4, v2;
	v4 =	vmul.f32 v11, v9;
	v9 =	vld [tilespmem:$0x1FCE0]  }
0x95: {  	v6 =	vmul.f32 v7, v6;
	v11 =	vld [tilespmem:$0x1FCF0]  }
0x96: {  	v7 =	vld [tilespmem:s21+$0x8000]  }
0x97: {  	s23 =	sor.u32 $0x5180, s18;
	v10 =	vmul.f32 v12, v10;
	v12 =	vld [tilespmem:s22+$0x8000];
	v3 =	vadd.f32 v6, v3  }
0x98: {  	v6 =	vld [tilespmem:s23+$0x0]  }
0x99: {  	v3 =	vadd.f32 v10, v3;
	v10 =	vld [tilespmem:$0x1FD10]  }
0x9a: {  	v9 =	vmul.f32 v11, v9;
	v11 =	vld [tilespmem:s23+$0x8000]  }
0x9b: {  	s24 =	sor.u32 $0x5380, s17;
	v2 =	vadd.f32 v4, v2;
	v4 =	vmul.f32 v7, v5;
	v7 =	vld [tilespmem:$0x1FD00]  }
0x9c: {  	v5 =	vld [tilespmem:s24+$0x0]  }
0x9d: {  	v3 =	vadd.f32 v9, v3;
	v9 =	vld [tilespmem:$0x1FD20]  }
0x9e: {  	s25 =	sor.u32 $0x6180, s18;
	v2 =	vadd.f32 v4, v2;
	v4 =	vmul.f32 v12, v8;
	v12 =	vld [tilespmem:$0x1FD30]  }
0x9f: {  	v8 =	vld [tilespmem:s25+$0x0]  }
0xa0: {  	v7 =	vmul.f32 v10, v7;
	v10 =	vld [tilespmem:s24+$0x8000]  }
0xa1: {  	v2 =	vadd.f32 v4, v2;
	v4 =	vmul.f32 v11, v6;
	v11 =	vld [tilespmem:$0x1FD50]  }
0xa2: {  	s26 =	sor.u32 $0x6380, s17;
	v3 =	vadd.f32 v7, v3;
	v7 =	vld [tilespmem:$0x1FD40]  }
0xa3: {  	v1 =	vadd.f32 v61, v1;
	v6 =	vld [tilespmem:s26+$0x0];
	v9 =	vmul.f32 v12, v9  }
0xa4: {  	v52 =	vmul.f32 v52, v51;
	v56 =	vmul.f32 v56, v55;
	v0 =	vadd.f32 v60, v0;
	v12 =	vld [tilespmem:s25+$0x8000]  }
0xa5: {  	v33 =	vmul.f32 v40, v39;
	v1 =	vadd.f32 v57, v1;
	v3 =	vadd.f32 v9, v3;
	v9 =	vld [tilespmem:$0x1FD60]  }
0xa6: {  	v0 =	vadd.f32 v56, v0;
	v2 =	vadd.f32 v4, v2;
	v4 =	vmul.f32 v10, v5;
	v10 =	vld [tilespmem:$0x1FD70]  }
0xa7: {  	s18 =	sor.u32 $0x7180, s18;
	v40 =	vmul.f32 v50, v49;
	v1 =	vadd.f32 v53, v1;
	v7 =	vmul.f32 v11, v7;
	v11 =	vld [tilespmem:s26+$0x8000]  }
0xa8: {  	v37 =	vmul.f32 v46, v45;
	v39 =	vmul.f32 v48, v47;
	v0 =	vadd.f32 v52, v0;
	v5 =	vld [tilespmem:s18+$0x0]  }
0xa9: {  	v1 =	vadd.f32 v40, v1;
	v2 =	vadd.f32 v4, v2;
	v4 =	vmul.f32 v12, v8;
	v8 =	vld [tilespmem:$0x1FD80]  }
0xaa: {  	v36 =	vmul.f32 v44, v43;
	v0 =	vadd.f32 v39, v0;
	v12 =	vld [tilespmem:$0x1FD90]  }
0xab: {  	v1 =	vadd.f32 v37, v1;
	v3 =	vadd.f32 v7, v3;
	v9 =	vmul.f32 v10, v9;
	v10 =	vld [tilespmem:s18+$0x8000]  }
0xac: {  	v0 =	vadd.f32 v36, v0;
	v2 =	vadd.f32 v4, v2;
	v4 =	vmul.f32 v11, v6;
	v6 =	vld [tilespmem:$0x1FDA0]  }
0xad: {  	v1 =	vadd.f32 v34, v1;
	v3 =	vadd.f32 v9, v3;
	v9 =	vld [tilespmem:$0x1FDB0]  }
0xae: {  	s17 =	sor.u32 $0x7380, s17;
	v0 =	vadd.f32 v33, v0  }
0xaf: {  	v1 =	vadd.f32 v27, v1;
	v7 =	vld [tilespmem:s17+$0x0];
	v8 =	vmul.f32 v12, v8  }
0xb0: {  	v0 =	vadd.f32 v26, v0;
	v12 =	vld [tilespmem:s17+$0x8000]  }
0xb1: {  	v1 =	vadd.f32 v23, v1;
	v3 =	vadd.f32 v8, v3;
	v8 =	vld [tilespmem:$0x1FDD0]  }
0xb2: {  	v2 =	vadd.f32 v4, v2;
	v4 =	vmul.f32 v10, v5;
	v5 =	vld [tilespmem:$0x1FDC0];
	v6 =	vmul.f32 v9, v6  }
0xb3: {  	v0 =	vadd.f32 v22, v0  }
0xb4: {  	v1 =	vadd.f32 v29, v1;
	v3 =	vadd.f32 v6, v3;
	v6 =	vld [tilespmem:$0x1FDE0]  }
0xb5: {  	v0 =	vadd.f32 v18, v0  }
0xb6: {  	v1 =	vadd.f32 v24, v1;
	v2 =	vadd.f32 v4, v2;
	v4 =	vmul.f32 v12, v7  }
0xb7: {  	v0 =	vadd.f32 v21, v0;
	v5 =	vmul.f32 v8, v5  }
0xb8: {  	v1 =	vadd.f32 v25, v1;
	v2 =	vadd.f32 v4, v2  }
0xb9: {  	v3 =	vadd.f32 v5, v3;
	v0 =	vadd.f32 v6, v0;
	_ =	sdelay $0x1  }
0xba: {  	v0 =	vadd.f32 v1, v0;
	v1 =	vadd.f32 v2, v3;
	_ =	sdelay $0x1  }
0xbb: {  	s28 =	simm.s32 $0x10;
	s18 =	simm.s32 $0x80;
	v0 =	vadd.f32 v1, v0  }
0xbc: {  	s29 =	sand.u32 $0x70, s28;
	s30 =	sand.u32 $0xC00, s18  }
0xbd: {  	s19 =	sor.u32 s29, s30;
	[tilespmem:s13+$0x0] =	vst v0  }
0xbe: {  	v14 =	vld [tilespmem:s19+$0x7200]  }
0xbf: {  	v15 =	vld [tilespmem:s19+$0xF200]  }
0xc0: {  	v23 =	vld [tilespmem:s19+$0x7280]  }
0xc1: {  	v7 =	vld [tilespmem:s19+$0xF280]  }
0xc2: {  	v24 =	vld [tilespmem:s19+$0x7300]  }
0xc3: {  	v25 =	vld [tilespmem:s19+$0xF300]  }
0xc4: {  	v18 =	vld [tilespmem:s19+$0x7000]  }
0xc5: {  	v8 =	vld [tilespmem:s19+$0xF000]  }
0xc6: {  	v0 =	vld [tilespmem:s19+$0x7080]  }
0xc7: {  	v19 =	vld [tilespmem:s19+$0xF080]  }
0xc8: {  	v26 =	vld [tilespmem:s19+$0x7100]  }
0xc9: {  	v27 =	vld [tilespmem:s19+$0xF100]  }
0xca: {  	v20 =	vld [tilespmem:s19+$0xE200]  }
0xcb: {  	v13 =	vld [tilespmem:s19+$0x6280]  }
0xcc: {  	v9 =	vld [tilespmem:s19+$0xE280]  }
0xcd: {  	v29 =	vld [tilespmem:s19+$0x6300]  }
0xce: {  	v16 =	vld [tilespmem:s19+$0xE000]  }
0xcf: {  	v17 =	vld [tilespmem:s19+$0x6080]  }
0xd0: {  	v10 =	vld [tilespmem:s19+$0xE080]  }
0xd1: {  	v21 =	vld [tilespmem:s19+$0xD200]  }
0xd2: {  	v22 =	vld [tilespmem:s19+$0x5280]  }
0xd3: {  	v11 =	vld [tilespmem:s19+$0xD280]  }
0xd4: {  	v30 =	vld [tilespmem:s19+$0xD000]  }
0xd5: {  	v31 =	vld [tilespmem:s19+$0x5080]  }
0xd6: {  	[tilespmem:$0x1FF00] =	vst v0;
	v0 =	vld [tilespmem:s19+$0x6200]  }
0xd7: {  	v12 =	vld [tilespmem:s19+$0xD080]  }
0xd8: {  	v34 =	vld [tilespmem:s19+$0xC200]  }
0xd9: {  	v35 =	vld [tilespmem:s19+$0x4280]  }
0xda: {  	v1 =	vld [tilespmem:s19+$0x4300]  }
0xdb: {  	[tilespmem:$0x1FF20] =	vst v0;
	v0 =	vld [tilespmem:s19+$0xE300]  }
0xdc: {  	v38 =	vld [tilespmem:s19+$0xC000]  }
0xdd: {  	v39 =	vld [tilespmem:s19+$0x4080]  }
0xde: {  	v2 =	vld [tilespmem:s19+$0x4100]  }
0xdf: {  	v40 =	vld [tilespmem:s19+$0xB200]  }
0xe0: {  	[tilespmem:$0x1FDF0] =	vst v0;
	v0 =	vld [tilespmem:s19+$0x6000]  }
0xe1: {  	v41 =	vld [tilespmem:s19+$0x3280]  }
0xe2: {  	v3 =	vld [tilespmem:s19+$0xB280]  }
0xe3: {  	v44 =	vld [tilespmem:s19+$0xB000]  }
0xe4: {  	v61 =	vld [tilespmem:s19+$0x3080]  }
0xe5: {  	[tilespmem:$0x1FF50] =	vst v0;
	v0 =	vld [tilespmem:s19+$0x6100]  }
0xe6: {  	v45 =	vld [tilespmem:s19+$0xB080]  }
0xe7: {  	v28 =	vld [tilespmem:s19+$0xB100]  }
0xe8: {  	v46 =	vld [tilespmem:s19+$0x2200]  }
0xe9: {  	v48 =	vld [tilespmem:s19+$0xA200]  }
0xea: {  	[tilespmem:$0x1FE00] =	vst v0;
	v0 =	vld [tilespmem:s19+$0xE100]  }
0xeb: {  	v50 =	vld [tilespmem:s19+$0x2280]  }
0xec: {  	v51 =	vld [tilespmem:s19+$0xA280]  }
0xed: {  	v32 =	vld [tilespmem:s19+$0x2300]  }
0xee: {  	v33 =	vld [tilespmem:s19+$0xA300]  }
0xef: {  	[tilespmem:$0x1FE10] =	vst v0;
	v0 =	vld [tilespmem:s19+$0x5200]  }
0xf0: {  	v52 =	vld [tilespmem:s19+$0x2000]  }
0xf1: {  	v53 =	vld [tilespmem:s19+$0xA000]  }
0xf2: {  	v54 =	vld [tilespmem:s19+$0x2080]  }
0xf3: {  	v55 =	vld [tilespmem:s19+$0xA080]  }
0xf4: {  	[tilespmem:$0x1FF80] =	vst v0;
	v0 =	vld [tilespmem:s19+$0x5300]  }
0xf5: {  	v36 =	vld [tilespmem:s19+$0x2100]  }
0xf6: {  	v37 =	vld [tilespmem:s19+$0xA100]  }
0xf7: {  	v56 =	vld [tilespmem:s19+$0x1200]  }
0xf8: {  	v57 =	vld [tilespmem:s19+$0x9200]  }
0xf9: {  	[tilespmem:$0x1FE20] =	vst v0;
	v0 =	vld [tilespmem:s19+$0xD300]  }
0xfa: {  	v58 =	vld [tilespmem:s19+$0x1280]  }
0xfb: {  	v59 =	vld [tilespmem:s19+$0x9280]  }
0xfc: {  	v42 =	vld [tilespmem:s19+$0x1300]  }
0xfd: {  	v43 =	vld [tilespmem:s19+$0x9300]  }
0xfe: {  	[tilespmem:$0x1FE30] =	vst v0;
	v0 =	vld [tilespmem:s19+$0x5000]  }
0xff: {  	v60 =	vld [tilespmem:s19+$0x1000]  }
0x100: {  	v9 =	vmul.f32 v9, v13;
	v13 =	vld [tilespmem:$0x1FF50]  }
0x101: {  	v62 =	vld [tilespmem:s19+$0x9000]  }
0x102: {  	v63 =	vld [tilespmem:s19+$0x1080]  }
0x103: {  	[tilespmem:$0x1FFB0] =	vst v0;
	v0 =	vld [tilespmem:s19+$0x5100]  }
0x104: {  	v47 =	vld [tilespmem:s19+$0x1100]  }
0x105: {  	v49 =	vld [tilespmem:s19+$0x9100];
	v13 =	vmul.f32 v16, v13  }
0x106: {  	[tilespmem:$0x1FE80] =	vst v2;
	v2 =	vld [tilespmem:s19+$0xC100]  }
0x107: {  	[tilespmem:$0x1FF60] =	vst v13;
	v13 =	vld [tilespmem:$0x1FF80]  }
0x108: {  	[tilespmem:$0x1FE40] =	vst v0;
	v0 =	vld [tilespmem:s19+$0xD100]  }
0x109: {  	v4 =	vld [tilespmem:s19+$0x8000]  }
0x10a: {  	v5 =	vld [tilespmem:s19+$0x0]  }
0x10b: {  	[tilespmem:$0x1FE60] =	vst v1;
	v1 =	vld [tilespmem:s19+$0xC300]  }
0x10c: {  	[tilespmem:$0x1FE90] =	vst v2;
	v2 =	vld [tilespmem:s19+$0x3200];
	v13 =	vmul.f32 v21, v13  }
0x10d: {  	[tilespmem:$0x1FE50] =	vst v0;
	v0 =	vld [tilespmem:s19+$0x4200]  }
0x10e: {  	[tilespmem:$0x1FF90] =	vst v13;
	v13 =	vld [tilespmem:$0x1FFB0]  }
0x10f: {  	v6 =	vld [tilespmem:s19+$0x200]  }
0x110: {  	v31 =	vmul.f32 v12, v31;
	v12 =	vld [tilespmem:s19+$0x100];
	[tilespmem:$0x1FE70] =	vst v1  }
0x111: {  	[tilespmem:$0x1FFE0] =	vst v2;
	v2 =	vld [tilespmem:s19+$0x3300]  }
0x112: {  	s31 =	sand.u32 $0xFFFFFC00, s18;
	v1 =	vld [tilespmem:s19+$0x4000];
	[tilespmem:$0x1FFC0] =	vst v0  }
0x113: {  	s21 =	sadd.s32 $0x10, s31;
	v7 =	vmul.f32 v7, v23;
	v30 =	vmul.f32 v30, v13;
	v13 =	vld [tilespmem:$0x1FFC0]  }
0x114: {  	s22 =	sor.u32 $0x180, s21;
	v41 =	vmul.f32 v3, v41;
	v3 =	vld [tilespmem:s19+$0x8300]  }
0x115: {  	v45 =	vmul.f32 v45, v61;
	v61 =	vld [tilespmem:s22+$0x0];
	[tilespmem:$0x1FEE0] =	vst v7  }
0x116: {  	[tilespmem:$0x1FEA0] =	vst v2;
	v2 =	vld [tilespmem:s19+$0xB300]  }
0x117: {  	v8 =	vmul.f32 v8, v18;
	v7 =	vld [tilespmem:s19+$0x8200];
	[tilespmem:$0x1FFD0] =	vst v1  }
0x118: {  	v34 =	vmul.f32 v34, v13;
	v13 =	vld [tilespmem:$0x1FFD0]  }
0x119: {  	[tilespmem:$0x1FEF0] =	vst v8;
	v8 =	vld [tilespmem:$0x1FF00]  }
0x11a: {  	v10 =	vmul.f32 v10, v17;
	[tilespmem:$0x1FF40] =	vst v9;
	v9 =	vld [tilespmem:s19+$0x8080]  }
0x11b: {  	[tilespmem:$0x1FEB0] =	vst v2;
	v2 =	vld [tilespmem:s19+$0x3000]  }
0x11c: {  	v14 =	vmul.f32 v15, v14;
	[tilespmem:$0x1FF70] =	vst v10;
	v10 =	vld [tilespmem:s19+$0x280]  }
0x11d: {  	v38 =	vmul.f32 v38, v13;
	v13 =	vld [tilespmem:$0x1FFE0]  }
0x11e: {  	[tilespmem:$0x1FED0] =	vst v14;
	v14 =	vld [tilespmem:$0x1FF20]  }
0x11f: {  	v1 =	vld [tilespmem:s19+$0xC080]  }
0x120: {  	[tilespmem:$0x1FFF0] =	vst v2;
	v2 =	vld [tilespmem:s19+$0x3100]  }
0x121: {  	v11 =	vmul.f32 v11, v22;
	v0 =	vld [tilespmem:s19+$0xC280]  }
0x122: {  	v8 =	vmul.f32 v19, v8;
	v40 =	vmul.f32 v40, v13;
	v13 =	vld [tilespmem:$0x1FFF0]  }
0x123: {  	[tilespmem:$0x1FFA0] =	vst v11;
	v11 =	vld [tilespmem:s19+$0x8280]  }
0x124: {  	[tilespmem:$0x1FF10] =	vst v8;
	v8 =	vld [tilespmem:s19+$0x80]  }
0x125: {  	v14 =	vmul.f32 v20, v14;
	v39 =	vmul.f32 v1, v39;
	v1 =	vld [tilespmem:s19+$0x300]  }
0x126: {  	[tilespmem:$0x1FEC0] =	vst v2;
	v2 =	vld [tilespmem:s19+$0x9080]  }
0x127: {  	s20 =	sor.u32 s28, s18;
	s17 =	simm.s32 $0x10000;
	[tilespmem:$0x1FF30] =	vst v14;
	v35 =	vmul.f32 v0, v35;
	v0 =	vld [tilespmem:s19+$0x8100];
	s19 =	simm.s32 $0x20;
	v44 =	vmul.f32 v44, v13  }
.LBB2_2:
0x128: {  	v13 =	vld [tilespmem:s22+$0x8000];
	s30 =	sor.u32 $0x380, s20  }
0x129: {  	v18 =	vld [tilespmem:s30+$0x0]  }
0x12a: {  	s31 =	sor.u32 $0x1180, s21;
	v21 =	vld [tilespmem:s30+$0x8000]  }
0x12b: {  	v2 =	vmul.f32 v2, v63;
	v63 =	vld [tilespmem:s31+$0x0];
	v4 =	vmul.f32 v4, v5  }
0x12c: {  	s23 =	sor.u32 $0x1380, s20;
	v5 =	vmul.f32 v7, v6;
	v6 =	vld [tilespmem:s31+$0x8000];
	v7 =	vmul.f32 v9, v8  }
0x12d: {  	v8 =	vmul.f32 v11, v10;
	v9 =	vld [tilespmem:s23+$0x0];
	v0 =	vmul.f32 v0, v12  }
0x12e: {  	s24 =	sor.u32 $0x2180, s21;
	v1 =	vmul.f32 v3, v1;
	v3 =	vld [tilespmem:s23+$0x8000];
	v10 =	vmul.f32 v13, v61  }
0x12f: {  	v12 =	vld [tilespmem:s24+$0x0];
	v11 =	vmul.f32 v21, v18;
	v4 =	vadd.f32 v5, v4;
	v5 =	vadd.f32 v8, v7  }
0x130: {  	s25 =	sor.u32 $0x2380, s20;
	v7 =	vmul.f32 v49, v47;
	v8 =	vld [tilespmem:s24+$0x8000];
	v0 =	vadd.f32 v1, v0  }
0x131: {  	v1 =	vadd.f32 v11, v10;
	v10 =	vld [tilespmem:s25+$0x0];
	v2 =	vadd.f32 v2, v5  }
0x132: {  	s26 =	sor.u32 $0x3180, s21;
	v5 =	vmul.f32 v43, v42;
	v11 =	vld [tilespmem:s25+$0x8000];
	v0 =	vadd.f32 v7, v0;
	v6 =	vmul.f32 v6, v63  }
0x133: {  	s28 =	sor.u32 $0x3380, s20;
	v3 =	vmul.f32 v3, v9;
	v9 =	vld [tilespmem:s26+$0x8000]  }
0x134: {  	v7 =	vmul.f32 v37, v36;
	v0 =	vadd.f32 v5, v0;
	v5 =	vld [tilespmem:s28+$0x0];
	v1 =	vadd.f32 v6, v1  }
0x135: {  	s29 =	sor.u32 $0x4180, s21;
	v6 =	vld [tilespmem:s26+$0x0]  }
0x136: {  	v0 =	vadd.f32 v7, v0;
	v7 =	vld [tilespmem:s29+$0x0];
	v1 =	vadd.f32 v3, v1;
	v3 =	vmul.f32 v8, v12  }
0x137: {  	v12 =	vld [tilespmem:s28+$0x8000]  }
0x138: {  	v8 =	vmul.f32 v33, v32;
	v1 =	vadd.f32 v3, v1;
	v3 =	vmul.f32 v11, v10;
	v10 =	vld [tilespmem:$0x1FEC0]  }
0x139: {  	v11 =	vld [tilespmem:s29+$0x8000]  }
0x13a: {  	v0 =	vadd.f32 v8, v0;
	v8 =	vld [tilespmem:$0x1FEA0]  }
0x13b: {  	v1 =	vadd.f32 v3, v1;
	v3 =	vmul.f32 v9, v6;
	v9 =	vld [tilespmem:$0x1FEB0]  }
0x13c: {  	s30 =	sor.u32 $0x4380, s20  }
0x13d: {  	v6 =	vld [tilespmem:s30+$0x0];
	v1 =	vadd.f32 v3, v1;
	v3 =	vmul.f32 v12, v5  }
0x13e: {  	v12 =	vld [tilespmem:$0x1FE90];
	v10 =	vmul.f32 v28, v10  }
0x13f: {  	v62 =	vmul.f32 v62, v60;
	v1 =	vadd.f32 v3, v1;
	v3 =	vmul.f32 v11, v7;
	v11 =	vld [tilespmem:$0x1FE70]  }
0x140: {  	v8 =	vmul.f32 v9, v8;
	v0 =	vadd.f32 v10, v0;
	v10 =	vld [tilespmem:$0x1FE80]  }
0x141: {  	v22 =	vmul.f32 v57, v56;
	v4 =	vadd.f32 v62, v4;
	v9 =	vld [tilespmem:s30+$0x8000]  }
0x142: {  	v0 =	vadd.f32 v8, v0;
	v8 =	vld [tilespmem:$0x1FE60]  }
0x143: {  	v19 =	vmul.f32 v53, v52;
	s31 =	sor.u32 $0x5180, s21;
	v4 =	vadd.f32 v22, v4  }
0x144: {  	v5 =	vld [tilespmem:s31+$0x0]  }
0x145: {  	v46 =	vmul.f32 v48, v46;
	v4 =	vadd.f32 v19, v4;
	v10 =	vmul.f32 v12, v10;
	v12 =	vld [tilespmem:s31+$0x8000]  }
0x146: {  	v23 =	vmul.f32 v59, v58;
	v1 =	vadd.f32 v3, v1;
	v3 =	vmul.f32 v9, v6;
	v9 =	vld [tilespmem:$0x1FE40]  }
0x147: {  	v4 =	vadd.f32 v46, v4;
	v8 =	vmul.f32 v11, v8;
	v0 =	vadd.f32 v10, v0;
	v10 =	vld [tilespmem:$0x1FE50]  }
0x148: {  	v20 =	vmul.f32 v55, v54;
	v2 =	vadd.f32 v23, v2  }
0x149: {  	v17 =	vmul.f32 v51, v50;
	v4 =	vadd.f32 v44, v4;
	v0 =	vadd.f32 v8, v0;
	v8 =	vld [tilespmem:$0x1FE20]  }
0x14a: {  	s23 =	sor.u32 $0x5380, s20;
	v2 =	vadd.f32 v20, v2;
	v1 =	vadd.f32 v3, v1;
	v3 =	vmul.f32 v12, v5;
	v12 =	vld [tilespmem:$0x1FE30]  }
0x14b: {  	s24 =	sor.u32 $0x6180, s21;
	v4 =	vadd.f32 v40, v4;
	v7 =	vld [tilespmem:s23+$0x0]  }
0x14c: {  	v2 =	vadd.f32 v17, v2;
	v6 =	vld [tilespmem:s24+$0x0];
	v9 =	vmul.f32 v10, v9  }
0x14d: {  	v4 =	vadd.f32 v38, v4;
	v11 =	vld [tilespmem:s23+$0x8000]  }
0x14e: {  	s25 =	sor.u32 $0x6380, s20;
	v2 =	vadd.f32 v45, v2;
	v0 =	vadd.f32 v9, v0;
	v9 =	vld [tilespmem:$0x1FF90]  }
0x14f: {  	v4 =	vadd.f32 v34, v4;
	v5 =	vld [tilespmem:s25+$0x0];
	v8 =	vmul.f32 v12, v8  }
0x150: {  	v2 =	vadd.f32 v41, v2;
	v10 =	vld [tilespmem:s24+$0x8000]  }
0x151: {  	v4 =	vadd.f32 v30, v4;
	v0 =	vadd.f32 v8, v0;
	v8 =	vld [tilespmem:$0x1FF60]  }
0x152: {  	v2 =	vadd.f32 v39, v2;
	v12 =	vld [tilespmem:s25+$0x8000]  }
0x153: {  	v1 =	vadd.f32 v3, v1;
	v3 =	vmul.f32 v11, v7;
	v4 =	vadd.f32 v9, v4;
	v9 =	vld [tilespmem:$0x1FFA0]  }
0x154: {  	v2 =	vadd.f32 v35, v2  }
0x155: {  	v11 =	vld [tilespmem:$0x1FE10];
	v1 =	vadd.f32 v3, v1;
	v3 =	vmul.f32 v10, v6  }
0x156: {  	v2 =	vadd.f32 v31, v2;
	v4 =	vadd.f32 v8, v4;
	v8 =	vld [tilespmem:$0x1FF70]  }
0x157: {  	v1 =	vadd.f32 v3, v1;
	v3 =	vmul.f32 v12, v5;
	v5 =	vld [tilespmem:$0x1FF30]  }
0x158: {  	v2 =	vadd.f32 v9, v2;
	v9 =	vld [tilespmem:$0x1FE00]  }
0x159: {  	s26 =	sor.u32 $0x7180, s21  }
0x15a: {  	v7 =	vld [tilespmem:s26+$0x0]  }
0x15b: {  	v2 =	vadd.f32 v8, v2;
	v8 =	vld [tilespmem:$0x1FDF0]  }
0x15c: {  	v4 =	vadd.f32 v5, v4;
	v5 =	vld [tilespmem:$0x1FF40]  }
0x15d: {  	v9 =	vmul.f32 v11, v9;
	v11 =	vld [tilespmem:s26+$0x8000];
	_ =	sdelay $0x2  }
0x15e: {  	v0 =	vadd.f32 v9, v0;
	v8 =	vmul.f32 v8, v29  }
0x15f: {  	v1 =	vadd.f32 v3, v1;
	v2 =	vadd.f32 v5, v2  }
0x160: {  	v5 =	vmul.f32 v27, v26;
	v0 =	vadd.f32 v8, v0;
	v3 =	vmul.f32 v11, v7;
	v7 =	vld [tilespmem:$0x1FEF0];
	_ =	sdelay $0x1  }
0x161: {  	s28 =	sor.u32 $0x7380, s20;
	v0 =	vadd.f32 v5, v0;
	v5 =	vld [tilespmem:$0x1FED0]  }
0x162: {  	v6 =	vld [tilespmem:s28+$0x0]  }
0x163: {  	v10 =	vld [tilespmem:s28+$0x8000]  }
0x164: {  	v4 =	vadd.f32 v7, v4;
	v7 =	vld [tilespmem:$0x1FF10];
	_ =	sdelay $0x1  }
0x165: {  	v4 =	vadd.f32 v5, v4;
	v5 =	vld [tilespmem:$0x1FEE0];
	_ =	sdelay $0x1  }
0x166: {  	v1 =	vadd.f32 v3, v1;
	v3 =	vmul.f32 v10, v6  }
0x167: {  	v2 =	vadd.f32 v7, v2;
	v7 =	vmul.f32 v25, v24  }
0x168: {  	v1 =	vadd.f32 v3, v1  }
0x169: {  	v2 =	vadd.f32 v5, v2;
	v0 =	vadd.f32 v7, v0;
	_ =	sdelay $0x1  }
0x16a: {  	v2 =	vadd.f32 v2, v4;
	v0 =	vadd.f32 v1, v0;
	_ =	sdelay $0x1  }
0x16b: {  	s18 =	sadd.s32 $0x80, s18;
	v0 =	vadd.f32 v0, v2  }
0x16c: {  	s17 =	sadd.s32 $0x10, s17;
	s29 =	sand.u32 $0x70, s19;
	s30 =	sand.u32 $0xC00, s18  }
0x16d: {  	s20 =	sor.u32 s29, s30;
	[tilespmem:s17+$0x0] =	vst v0  }
0x16e: {  	v8 =	vld [tilespmem:s20+$0x7200]  }
0x16f: {  	v12 =	vld [tilespmem:s20+$0xF200]  }
0x170: {  	v0 =	vld [tilespmem:s20+$0x7280]  }
0x171: {  	v11 =	vld [tilespmem:s20+$0x6200]  }
0x172: {  	v10 =	vld [tilespmem:s20+$0xE200]  }
0x173: {  	v30 =	vld [tilespmem:s20+$0x6280]  }
0x174: {  	v31 =	vld [tilespmem:s20+$0xE280]  }
0x175: {  	v34 =	vld [tilespmem:s20+$0x6000]  }
0x176: {  	v35 =	vld [tilespmem:s20+$0xE000]  }
0x177: {  	v38 =	vld [tilespmem:s20+$0x6080]  }
0x178: {  	v39 =	vld [tilespmem:s20+$0xE080]  }
0x179: {  	v40 =	vld [tilespmem:s20+$0x5200]  }
0x17a: {  	v41 =	vld [tilespmem:s20+$0xD200]  }
0x17b: {  	v44 =	vld [tilespmem:s20+$0x5280]  }
0x17c: {  	v45 =	vld [tilespmem:s20+$0xD280]  }
0x17d: {  	v61 =	vld [tilespmem:s20+$0x5000]  }
0x17e: {  	v1 =	vld [tilespmem:s20+$0x5080]  }
0x17f: {  	v3 =	vld [tilespmem:s20+$0xD080]  }
0x180: {  	v2 =	vld [tilespmem:s20+$0x5100]  }
0x181: {  	v13 =	vld [tilespmem:s20+$0x4200]  }
0x182: {  	v16 =	vld [tilespmem:s20+$0xC200]  }
0x183: {  	v17 =	vld [tilespmem:s20+$0x4280]  }
0x184: {  	v14 =	vld [tilespmem:s20+$0xC280]  }
0x185: {  	v15 =	vld [tilespmem:s20+$0x4000]  }
0x186: {  	v18 =	vld [tilespmem:s20+$0xC000]  }
0x187: {  	v19 =	vld [tilespmem:s20+$0x4080]  }
0x188: {  	[tilespmem:$0x1FBC0] =	vst v0;
	v0 =	vld [tilespmem:s20+$0xF280]  }
0x189: {  	v20 =	vld [tilespmem:s20+$0xC080]  }
0x18a: {  	v22 =	vld [tilespmem:s20+$0x3200]  }
0x18b: {  	v23 =	vld [tilespmem:s20+$0xB200]  }
0x18c: {  	v26 =	vld [tilespmem:s20+$0x3280]  }
0x18d: {  	[tilespmem:$0x1FBD0] =	vst v0;
	v0 =	vld [tilespmem:s20+$0x7300]  }
0x18e: {  	v21 =	vld [tilespmem:s20+$0xB280]  }
0x18f: {  	v24 =	vld [tilespmem:s20+$0x3000]  }
0x190: {  	v25 =	vld [tilespmem:s20+$0xB000]  }
0x191: {  	v29 =	vld [tilespmem:s20+$0x3080]  }
0x192: {  	[tilespmem:$0x1FC40] =	vst v0;
	v0 =	vld [tilespmem:s20+$0xF300]  }
0x193: {  	v27 =	vld [tilespmem:s20+$0xB080]  }
0x194: {  	v28 =	vld [tilespmem:s20+$0xB100]  }
0x195: {  	v46 =	vld [tilespmem:s20+$0x2200]  }
0x196: {  	v48 =	vld [tilespmem:s20+$0xA200]  }
0x197: {  	[tilespmem:$0x1FC30] =	vst v0;
	v0 =	vld [tilespmem:s20+$0x7000]  }
0x198: {  	v50 =	vld [tilespmem:s20+$0x2280]  }
0x199: {  	v51 =	vld [tilespmem:s20+$0xA280]  }
0x19a: {  	v32 =	vld [tilespmem:s20+$0x2300]  }
0x19b: {  	v33 =	vld [tilespmem:s20+$0xA300]  }
0x19c: {  	[tilespmem:$0x1FBE0] =	vst v0;
	v0 =	vld [tilespmem:s20+$0xF000]  }
0x19d: {  	v52 =	vld [tilespmem:s20+$0x2000]  }
0x19e: {  	v53 =	vld [tilespmem:s20+$0xA000]  }
0x19f: {  	v54 =	vld [tilespmem:s20+$0x2080]  }
0x1a0: {  	v55 =	vld [tilespmem:s20+$0xA080]  }
0x1a1: {  	[tilespmem:$0x1FBF0] =	vst v0;
	v0 =	vld [tilespmem:s20+$0x7080]  }
0x1a2: {  	v36 =	vld [tilespmem:s20+$0x2100]  }
0x1a3: {  	v37 =	vld [tilespmem:s20+$0xA100]  }
0x1a4: {  	v56 =	vld [tilespmem:s20+$0x1200]  }
0x1a5: {  	[tilespmem:$0x1FE40] =	vst v2;
	v2 =	vld [tilespmem:s20+$0xD100]  }
0x1a6: {  	[tilespmem:$0x1FC00] =	vst v0;
	v0 =	vld [tilespmem:s20+$0xF080]  }
0x1a7: {  	v57 =	vld [tilespmem:s20+$0x9200]  }
0x1a8: {  	v58 =	vld [tilespmem:s20+$0x1280]  }
0x1a9: {  	v59 =	vld [tilespmem:s20+$0x9280]  }
0x1aa: {  	[tilespmem:$0x1FE50] =	vst v2;
	v2 =	vld [tilespmem:s20+$0x4300]  }
0x1ab: {  	[tilespmem:$0x1FC10] =	vst v0;
	v0 =	vld [tilespmem:s20+$0x7100]  }
0x1ac: {  	v42 =	vld [tilespmem:s20+$0x1300]  }
0x1ad: {  	v43 =	vld [tilespmem:s20+$0x9300]  }
0x1ae: {  	v60 =	vld [tilespmem:s20+$0x1000]  }
0x1af: {  	[tilespmem:$0x1FE60] =	vst v2;
	v2 =	vld [tilespmem:s20+$0xC300]  }
0x1b0: {  	[tilespmem:$0x1FC20] =	vst v0;
	v0 =	vld [tilespmem:s20+$0xF100]  }
0x1b1: {  	v62 =	vld [tilespmem:s20+$0x9000]  }
0x1b2: {  	v63 =	vld [tilespmem:s20+$0x1080]  }
0x1b3: {  	v47 =	vld [tilespmem:s20+$0x1100]  }
0x1b4: {  	[tilespmem:$0x1FE70] =	vst v2;
	v2 =	vld [tilespmem:s20+$0x4100]  }
0x1b5: {  	[tilespmem:$0x1FC60] =	vst v0;
	v0 =	vld [tilespmem:s20+$0x6300]  }
0x1b6: {  	v49 =	vld [tilespmem:s20+$0x9100]  }
0x1b7: {  	v4 =	vld [tilespmem:s20+$0x8000]  }
0x1b8: {  	v5 =	vld [tilespmem:s20+$0x0]  }
0x1b9: {  	v8 =	vmul.f32 v12, v8;
	[tilespmem:$0x1FE80] =	vst v2;
	v2 =	vld [tilespmem:s20+$0xC100]  }
0x1ba: {  	[tilespmem:$0x1FC50] =	vst v0;
	v0 =	vld [tilespmem:s20+$0xE300]  }
0x1bb: {  	[tilespmem:$0x1FED0] =	vst v8;
	v8 =	vld [tilespmem:$0x1FBC0]  }
0x1bc: {  	v12 =	vld [tilespmem:$0x1FBD0]  }
0x1bd: {  	v6 =	vld [tilespmem:s20+$0x200]  }
0x1be: {  	[tilespmem:$0x1FE90] =	vst v2;
	v2 =	vld [tilespmem:s20+$0x3300]  }
0x1bf: {  	[tilespmem:$0x1FDF0] =	vst v0;
	v0 =	vld [tilespmem:s20+$0x6100]  }
0x1c0: {  	v7 =	vld [tilespmem:s20+$0x8200]  }
0x1c1: {  	v8 =	vmul.f32 v12, v8;
	v12 =	vld [tilespmem:$0x1FBE0]  }
0x1c2: {  	v9 =	vld [tilespmem:$0x1FBF0]  }
0x1c3: {  	v10 =	vmul.f32 v10, v11;
	[tilespmem:$0x1FEA0] =	vst v2;
	v2 =	vld [tilespmem:s20+$0xB300]  }
0x1c4: {  	v11 =	vmul.f32 v35, v34;
	[tilespmem:$0x1FE00] =	vst v0;
	v0 =	vld [tilespmem:s20+$0xE100]  }
0x1c5: {  	[tilespmem:$0x1FF30] =	vst v10;
	v10 =	vmul.f32 v31, v30;
	v31 =	vmul.f32 v3, v1;
	v1 =	vld [tilespmem:s20+$0x300]  }
0x1c6: {  	v3 =	vld [tilespmem:s20+$0x8300]  }
0x1c7: {  	[tilespmem:$0x1FF60] =	vst v11;
	v12 =	vmul.f32 v9, v12;
	v9 =	vld [tilespmem:$0x1FC00]  }
0x1c8: {  	[tilespmem:$0x1FEB0] =	vst v2;
	v2 =	vld [tilespmem:s20+$0x3100]  }
0x1c9: {  	[tilespmem:$0x1FE10] =	vst v0;
	v0 =	vld [tilespmem:s20+$0x5300]  }
0x1ca: {  	v11 =	vmul.f32 v39, v38;
	[tilespmem:$0x1FEF0] =	vst v12;
	v12 =	vld [tilespmem:$0x1FC10]  }
0x1cb: {  	[tilespmem:$0x1FF40] =	vst v10;
	v10 =	vld [tilespmem:s20+$0x280]  }
0x1cc: {  	[tilespmem:$0x1FF70] =	vst v11;
	v11 =	vld [tilespmem:s20+$0x8280]  }
0x1cd: {  	[tilespmem:$0x1FEE0] =	vst v8;
	v8 =	vld [tilespmem:s20+$0x80]  }
0x1ce: {  	[tilespmem:$0x1FE20] =	vst v0;
	v0 =	vld [tilespmem:s20+$0xD300]  }
0x1cf: {  	[tilespmem:$0x1FEC0] =	vst v2;
	v2 =	vld [tilespmem:s20+$0x9080];
	v9 =	vmul.f32 v12, v9  }
0x1d0: {  	v12 =	vmul.f32 v41, v40;
	v41 =	vmul.f32 v21, v26;
	v26 =	vld [tilespmem:$0x1FC20]  }
0x1d1: {  	[tilespmem:$0x1FF10] =	vst v9;
	v9 =	vld [tilespmem:s20+$0x8080]  }
0x1d2: {  	[tilespmem:$0x1FF90] =	vst v12;
	v12 =	vmul.f32 v45, v44;
	v44 =	vmul.f32 v25, v24;
	v25 =	vld [tilespmem:$0x1FC30]  }
0x1d3: {  	[tilespmem:$0x1FE30] =	vst v0;
	v0 =	vld [tilespmem:s20+$0xD000]  }
0x1d4: {  	p0 =	sne.s32 s19, $0x1F0;
	v24 =	vld [tilespmem:$0x1FC40]  }
.Ltmp0:
0x1d5: {  	[tilespmem:$0x1FFA0] =	vst v12;
	v12 =	vld [tilespmem:s20+$0x100];
	(pc) =	sbr.rel @p0 .LBB2_2-.Ltmp0, $4  }
0x1d6: {  	s31 =	sand.u32 $0xFFFFFC00, s18;
	v45 =	vmul.f32 v27, v29;
	v27 =	vld [tilespmem:$0x1FC60]  }
0x1d7: {  	s21 =	sadd.s32 s31, s19;
	v34 =	vmul.f32 v16, v13;
	v35 =	vmul.f32 v14, v17;
	v29 =	vld [tilespmem:$0x1FC50]  }
0x1d8: {  	s22 =	sor.u32 $0x180, s21;
	v38 =	vmul.f32 v18, v15;
	v30 =	vmul.f32 v0, v61;
	v0 =	vld [tilespmem:s20+$0x8100]  }
0x1d9: {  	v39 =	vmul.f32 v20, v19;
	v40 =	vmul.f32 v23, v22;
	v61 =	vld [tilespmem:s22+$0x0];
	s20 =	sor.u32 s19, s18;
	s19 =	sadd.s32 $0x10, s19  }
0x1da: {  	v15 =	vld [tilespmem:s22+$0x8000]  }
0x1db: {  	v14 =	vmul.f32 v51, v50;
	v50 =	vmul.f32 v33, v32;
	v32 =	vld [tilespmem:$0x1FE40]  }
0x1dc: {  	v33 =	vld [tilespmem:$0x1FE50]  }
0x1dd: {  	v13 =	vmul.f32 v48, v46;
	s18 =	sor.u32 $0x380, s20;
	v46 =	vmul.f32 v37, v36;
	v37 =	vld [tilespmem:$0x1FE20]  }
0x1de: {  	v18 =	vld [tilespmem:s18+$0x0]  }
0x1df: {  	s19 =	sor.u32 $0x1180, s21;
	v21 =	vld [tilespmem:s18+$0x8000]  }
0x1e0: {  	v23 =	vld [tilespmem:s19+$0x0]  }
0x1e1: {  	v17 =	vmul.f32 v55, v54;
	s29 =	sor.u32 $0x1380, s20;
	v54 =	vld [tilespmem:s19+$0x8000]  }
0x1e2: {  	v19 =	vmul.f32 v57, v56;
	v57 =	vld [tilespmem:s29+$0x0]  }
0x1e3: {  	v16 =	vmul.f32 v53, v52;
	v20 =	vmul.f32 v59, v58;
	s22 =	sor.u32 $0x3380, s20;
	v58 =	vld [tilespmem:s29+$0x8000]  }
0x1e4: {  	v2 =	vmul.f32 v2, v63;
	v63 =	vmul.f32 v49, v47;
	v49 =	vld [tilespmem:s22+$0x0]  }
0x1e5: {  	v4 =	vmul.f32 v4, v5;
	v53 =	vmul.f32 v7, v6;
	s19 =	sor.u32 $0x3180, s21;
	v51 =	vld [tilespmem:s22+$0x8000]  }
0x1e6: {  	v55 =	vmul.f32 v9, v8;
	v56 =	vmul.f32 v11, v10;
	s23 =	sor.u32 $0x4180, s21;
	v47 =	vld [tilespmem:s19+$0x8000]  }
0x1e7: {  	v4 =	vadd.f32 v53, v4;
	v53 =	vld [tilespmem:s23+$0x0]  }
0x1e8: {  	v22 =	vmul.f32 v62, v60;
	s29 =	sor.u32 $0x6380, s20;
	v62 =	vadd.f32 v56, v55;
	v55 =	vld [tilespmem:s23+$0x8000]  }
0x1e9: {  	s25 =	sor.u32 $0x5180, s21;
	v36 =	vld [tilespmem:s29+$0x0]  }
0x1ea: {  	s26 =	sor.u32 $0x5380, s20;
	v2 =	vadd.f32 v2, v62;
	v62 =	vld [tilespmem:s25+$0x0]  }
0x1eb: {  	s30 =	sor.u32 $0x2180, s21;
	v4 =	vadd.f32 v22, v4;
	v22 =	vld [tilespmem:s26+$0x8000]  }
0x1ec: {  	v59 =	vmul.f32 v15, v61;
	v61 =	vld [tilespmem:s30+$0x0]  }
0x1ed: {  	s31 =	sor.u32 $0x2380, s20;
	v15 =	vld [tilespmem:s30+$0x8000]  }
0x1ee: {  	v60 =	vmul.f32 v21, v18;
	v21 =	vld [tilespmem:s31+$0x0]  }
0x1ef: {  	v6 =	vmul.f32 v54, v23;
	v23 =	vmul.f32 v43, v42;
	v42 =	vld [tilespmem:s31+$0x8000]  }
0x1f0: {  	v43 =	vld [tilespmem:s19+$0x0]  }
0x1f1: {  	v1 =	vmul.f32 v3, v1;
	s24 =	sor.u32 $0x4380, s20;
	v54 =	vld [tilespmem:$0x1FEC0]  }
0x1f2: {  	v0 =	vmul.f32 v0, v12;
	v3 =	vmul.f32 v58, v57;
	v57 =	vld [tilespmem:s24+$0x0]  }
0x1f3: {  	v58 =	vld [tilespmem:$0x1FEA0]  }
0x1f4: {  	v0 =	vadd.f32 v1, v0;
	v4 =	vadd.f32 v19, v4;
	v19 =	vld [tilespmem:s26+$0x0]  }
0x1f5: {  	v2 =	vadd.f32 v20, v2;
	v20 =	vld [tilespmem:$0x1FE60]  }
0x1f6: {  	v0 =	vadd.f32 v63, v0;
	v63 =	vld [tilespmem:$0x1FE80]  }
0x1f7: {  	v18 =	vadd.f32 v60, v59;
	v59 =	vld [tilespmem:$0x1FEB0]  }
0x1f8: {  	v60 =	vld [tilespmem:s24+$0x8000]  }
0x1f9: {  	v4 =	vadd.f32 v16, v4;
	v16 =	vld [tilespmem:$0x1FE90]  }
0x1fa: {  	v2 =	vadd.f32 v17, v2;
	v17 =	vld [tilespmem:s25+$0x8000]  }
0x1fb: {  	v48 =	vmul.f32 v15, v61;
	v61 =	vmul.f32 v51, v49;
	v49 =	vld [tilespmem:$0x1FF60]  }
0x1fc: {  	v1 =	vadd.f32 v6, v18;
	v51 =	vld [tilespmem:$0x1FDF0]  }
0x1fd: {  	v18 =	vmul.f32 v55, v53;
	v55 =	vld [tilespmem:$0x1FF40]  }
0x1fe: {  	s28 =	sor.u32 $0x6180, s21;
	v0 =	vadd.f32 v23, v0;
	v52 =	vmul.f32 v42, v21;
	v21 =	vld [tilespmem:$0x1FE70];
	v1 =	vadd.f32 v3, v1  }
0x1ff: {  	v10 =	vmul.f32 v28, v54;
	v28 =	vld [tilespmem:s28+$0x0]  }
0x200: {  	v0 =	vadd.f32 v46, v0;
	v42 =	vld [tilespmem:$0x1FF90];
	v1 =	vadd.f32 v48, v1  }
0x201: {  	s30 =	sor.u32 $0x7180, s21;
	v4 =	vadd.f32 v13, v4;
	v2 =	vadd.f32 v14, v2;
	v56 =	vmul.f32 v47, v43;
	v43 =	vld [tilespmem:$0x1FFA0]  }
0x202: {  	v46 =	vld [tilespmem:s30+$0x8000];
	v0 =	vadd.f32 v50, v0;
	v1 =	vadd.f32 v52, v1  }
0x203: {  	v54 =	vld [tilespmem:$0x1FF30];
	v4 =	vadd.f32 v44, v4;
	v2 =	vadd.f32 v45, v2  }
0x204: {  	v44 =	vld [tilespmem:$0x1FE00];
	v8 =	vmul.f32 v59, v58;
	v0 =	vadd.f32 v10, v0;
	v1 =	vadd.f32 v56, v1  }
0x205: {  	v45 =	vld [tilespmem:$0x1FE10];
	v4 =	vadd.f32 v40, v4;
	v2 =	vadd.f32 v41, v2  }
0x206: {  	v50 =	vld [tilespmem:$0x1FF70];
	v10 =	vmul.f32 v16, v63;
	v0 =	vadd.f32 v8, v0;
	v1 =	vadd.f32 v61, v1  }
0x207: {  	v23 =	vmul.f32 v60, v57;
	v4 =	vadd.f32 v38, v4;
	v2 =	vadd.f32 v39, v2;
	v38 =	vld [tilespmem:$0x1FE30]  }
0x208: {  	v58 =	vld [tilespmem:$0x1FEF0];
	v8 =	vmul.f32 v21, v20;
	v0 =	vadd.f32 v10, v0;
	v1 =	vadd.f32 v18, v1  }
0x209: {  	v9 =	vmul.f32 v33, v32;
	v4 =	vadd.f32 v34, v4;
	v2 =	vadd.f32 v35, v2;
	v34 =	vld [tilespmem:s28+$0x8000]  }
0x20a: {  	v39 =	vld [tilespmem:s29+$0x8000];
	v35 =	vmul.f32 v17, v62;
	v0 =	vadd.f32 v8, v0;
	v1 =	vadd.f32 v23, v1  }
0x20b: {  	v59 =	vld [tilespmem:$0x1FF10];
	v40 =	vmul.f32 v22, v19;
	v4 =	vadd.f32 v30, v4;
	v2 =	vadd.f32 v31, v2  }
0x20c: {  	s31 =	sor.u32 $0x7380, s20;
	v41 =	vld [tilespmem:s30+$0x0];
	v8 =	vmul.f32 v38, v37;
	v0 =	vadd.f32 v9, v0;
	v1 =	vadd.f32 v35, v1  }
0x20d: {  	v48 =	vld [tilespmem:s31+$0x0];
	v4 =	vadd.f32 v42, v4;
	v2 =	vadd.f32 v43, v2;
	v9 =	vmul.f32 v45, v44  }
0x20e: {  	v63 =	vld [tilespmem:$0x1FEE0];
	v47 =	vmul.f32 v34, v28;
	v0 =	vadd.f32 v8, v0;
	v1 =	vadd.f32 v40, v1  }
0x20f: {  	v52 =	vld [tilespmem:s31+$0x8000];
	v53 =	vmul.f32 v39, v36;
	v4 =	vadd.f32 v49, v4;
	v2 =	vadd.f32 v50, v2  }
0x210: {  	v62 =	vld [tilespmem:$0x1FED0];
	v8 =	vmul.f32 v51, v29;
	v0 =	vadd.f32 v9, v0;
	v1 =	vadd.f32 v47, v1  }
0x211: {  	v56 =	vmul.f32 v27, v26;
	v4 =	vadd.f32 v54, v4;
	v2 =	vadd.f32 v55, v2  }
0x212: {  	v57 =	vmul.f32 v46, v41;
	v0 =	vadd.f32 v8, v0;
	v1 =	vadd.f32 v53, v1  }
0x213: {  	v60 =	vmul.f32 v25, v24;
	v4 =	vadd.f32 v58, v4;
	v2 =	vadd.f32 v59, v2  }
0x214: {  	v61 =	vmul.f32 v52, v48;
	v0 =	vadd.f32 v56, v0;
	v1 =	vadd.f32 v57, v1  }
0x215: {  	v4 =	vadd.f32 v62, v4;
	v2 =	vadd.f32 v63, v2  }
0x216: {  	v0 =	vadd.f32 v60, v0;
	v1 =	vadd.f32 v61, v1;
	_ =	sdelay $0x1  }
0x217: {  	v2 =	vadd.f32 v2, v4;
	v0 =	vadd.f32 v1, v0;
	_ =	sdelay $0x1  }
0x218: {  	v0 =	vadd.f32 v0, v2  }
0x219: {  	s17 =	sadd.s32 $0x10, s17  }
0x21a: {  	[tilespmem:s17+$0x0] =	vst v0  }
0x21b: {  	[hbm4b:s7+s2] =	stream.linear.scatter [tilespmem:s13], [sflag:$0x3], $0x200, $0x38;
	[tilespmem:$0x10200] =	vst v63  }
0x21c: {  	_ =	swait.ge [sflag:s14], $0x200  }
0x21d: {  	[sflag:s14] =	ssyncset.done $0x0  }
0x21e: {  	s16 =	sadd.s32 $0x1, s16;
	[sflag:s14] =	ssyncadd.s32 $0xFFFFFE00  }
0x21f: {  	p0 =	sne.s32 s16, s8;
	_ =	swait.ge [sflag:s15], $0x8000  }
.Ltmp1:
0x220: {  	[sflag:s15] =	ssyncset.done $0x0;
	(pc) =	sbr.rel @p0 .LBB2_1-.Ltmp1, $4  }
0x221: {  	[sflag:s15] =	ssyncadd.s32 $0xFFFF8000  }
0x222: {  	_ =	swait.ge [sflag:s15], $0x8000  }
0x223: {  	[sflag:s15] =	ssyncset.done $0x0  }
0x224: {  	[sflag:s15] =	ssyncadd.s32 $0xFFFF8000  }
0x225: {  	_ =	sfence.sel $0x180000  }
0x226: {  	[bflag:$0x0] =	sbarrier.arrive $0xFFFF  }
0x227: {  	p0 =	sne.s32 s1, $0x0;
	_ =	strace $0x90000047  }
0x228: {  	s0 =	sadd.s32 @!p0 $0x100000, s0;
	[bflag:$0x2] =	sbarrier.arrive $0xFFFF  }
0x229: {  	[sflag:s0] =	ssyncadd.tile.s32 @!p0 $0x1;
	_ =	shalt  }
.Lfunc_end2:
_tile_overlayer_lowered:
.L_overlay_start_2:
0x22a: {  	(tag) =	ssettag $0x2  }
0x22b: {  	s0 =	rddreg [dreg:$0x0];
	s2 =	stileid.u32  }
0x22c: {  	s1 =	rddreg [dreg:$0x1];
	p0 =	sne.s32 s2, $0x0  }
0x22d: {  	s3 =	rddreg [dreg:$0x2];
	[bflag:$0x3] =	sbarrier.arrive $0xFFFF;
	s2 =	simm.s32 @!p0 $0x1C03  }
0x22e: {  	[timem:s3], [sflag:s2] =	dma.local @!p0 [hbm:s0], s1  }
0x22f: {  	s0 =	simm.s32 @!p0 $0x3  }
0x230: {  	_ =	swait.ge @!p0 [sflag:s0], s1  }
0x231: {  	s1 =	ssub.s32 @!p0 $0x0, s1;
	[sflag:s0] =	ssyncset.done @!p0 $0x0  }
0x232: {  	[sflag:s0] =	ssyncadd.s32 @!p0 s1  }
0x233: {  	[bflag:$0x3] =	sbarrier.arrive $0xFFFF  }
0x234: {  	_ =	shalt  }

</sc_bundles>
